<compile_context>
chip_gen: v7x
topology: tpu7x:2x2x1
jax: 0.10.2.dev20260603
libtpu: 0.0.44.dev20260713+nightly
codegen_flags: <defaults>
</compile_context>

<pallas_src>
import functools

import jax
import jax.numpy as jnp
from jax import lax
from jax.experimental import pallas as pl
from jax.experimental.pallas import tpu as pltpu
from jax.experimental.pallas import tpu_sc as plsc

L = 16
PCTS = (0.25, 0.5, 0.75)


def _tc_quantiles(x, n):
    col = lax.broadcasted_iota(jnp.int32, x.shape, 1)
    cdf = x
    sh = 1
    while sh < n:
        cdf = cdf + jnp.where(col >= sh, jnp.roll(cdf, sh, 1), 0.0)
        sh *= 2
    cdf0 = cdf[:, :1]
    qs = []
    for p in PCTS:
        lt = cdf < p
        idx = jnp.sum(lt.astype(jnp.float32), axis=1, keepdims=True)
        yb = jnp.min(jnp.where(lt, jnp.float32(jnp.inf), cdf), axis=1,
                     keepdims=True)
        ya = jnp.max(jnp.where(lt, cdf, 0.0), axis=1, keepdims=True)
        notf = idx >= n
        idx = jnp.where(notf, 0.0, idx)
        yb = jnp.where(notf, cdf0, yb)
        ya = jnp.where(notf, 0.0, ya)
        qs.append(idx + 1.0 + (p - yb) / (yb - ya))
    return qs


def _deep_tc_body(e_ref, t_ref, o_ref):
    n = e_ref.shape[1]
    qe = _tc_quantiles(e_ref[...], n)
    qt = _tc_quantiles(t_ref[...], n)
    s = jnp.zeros_like(qe[0])
    for a, b in zip(qe, qt):
        s = s + jnp.abs(a - b)
    o_ref[...] = jnp.broadcast_to(s, o_ref.shape)


def _deep_tc_loss(p_estimate, p_target):
    B, N = p_estimate.shape
    R = 256
    out = pl.pallas_call(
        _deep_tc_body,
        grid=(B // R,),
        in_specs=[pl.BlockSpec((R, N), lambda i: (i, 0)),
                  pl.BlockSpec((R, N), lambda i: (i, 0))],
        out_specs=pl.BlockSpec((R, 128), lambda i: (i, 0)),
        out_shape=jax.ShapeDtypeStruct((B, 128), jnp.float32),
    )(p_estimate, p_target)
    return jnp.sum(out[:, 0]) / jnp.float32(B * len(PCTS))


def _scan_fast(bufs, cbufs, g):
    lane = lax.iota(jnp.int32, L)
    lane16 = lane * L
    zi = jnp.zeros((L,), jnp.int32)

    def col_hot(cdf_ref, c, x, j):
        csum, c0, c1, c2 = c
        new = csum + x
        cdf_ref[j, :] = new
        c0 = c0 + (new < PCTS[0]).astype(jnp.int32)
        c1 = c1 + (new < PCTS[1]).astype(jnp.int32)
        c2 = c2 + (new < PCTS[2]).astype(jnp.int32)
        return (new, c0, c1, c2)

    def col_mid(cdf_ref, c, x, j):
        csum, c0, c1, c2 = c
        new = csum + x
        plsc.store_scatter(cdf_ref, [jnp.full((L,), j, jnp.int32), lane], new)
        c0 = c0 + (new < PCTS[0]).astype(jnp.int32)
        c1 = c1 + (new < PCTS[1]).astype(jnp.int32)
        c2 = c2 + (new < PCTS[2]).astype(jnp.int32)
        return (new, c0, c1, c2)

    c = ((jnp.zeros((L,), jnp.float32), zi, zi, zi),
         (jnp.zeros((L,), jnp.float32), zi, zi, zi))
    for j in range(8):
        flat = g * (L * L) + j + lane16
        r, cl = lax.shift_right_logical(flat, 7), lax.bitwise_and(flat, 127)
        xe = plsc.load_gather(bufs[0], [r, cl])
        xt = plsc.load_gather(bufs[1], [r, cl])
        c = (col_hot(cbufs[0], c[0], xe, j), col_hot(cbufs[1], c[1], xt, j))

    def mid(c):
        def body(j, c):
            flat = g * (L * L) + j + lane16
            r = lax.shift_right_logical(flat, 7)
            cl = lax.bitwise_and(flat, 127)
            xe = plsc.load_gather(bufs[0], [r, cl])
            xt = plsc.load_gather(bufs[1], [r, cl])
            return (col_mid(cbufs[0], c[0], xe, j),
                    col_mid(cbufs[1], c[1], xt, j))
        return lax.fori_loop(8, L, body, c)

    done = jnp.logical_and(jnp.all(c[0][0] >= PCTS[2]),
                           jnp.all(c[1][0] >= PCTS[2]))
    c = lax.cond(done, lambda c: c, mid, c)

    out = []
    for (_, c0, c1, c2), cbuf in zip(c, cbufs):
        bad = c2 >= L
        qs = []
        for p, cnt in ((PCTS[0], c0), (PCTS[1], c1), (PCTS[2], c2)):
            cc = jnp.minimum(cnt, L - 1)
            yb = plsc.load_gather(cbuf, [cc, lane])
            ya_prev = plsc.load_gather(cbuf, [jnp.maximum(cc - 1, 0), lane])
            ya = jnp.where(cnt == 0, jnp.zeros((L,), jnp.float32), ya_prev)
            qs.append(cnt.astype(jnp.float32) + 1.0 + (p - yb) / (yb - ya))
        out.append((qs, bad))
    return out


def _make_fast_call(B, N):
    rw = B // 32
    ng = rw // L
    srows = rw * L // 128
    mesh = plsc.VectorSubcoreMesh(core_axis_name="c", subcore_axis_name="s")

    @functools.partial(
        pl.kernel,
        mesh=mesh,
        out_type=(jax.ShapeDtypeStruct((32, L), jnp.float32),
                  jax.ShapeDtypeStruct((32, L), jnp.float32)),
        scratch_types=[
            pltpu.VMEM((srows, 128), jnp.float32),
            pltpu.VMEM((srows, 128), jnp.float32),
            pltpu.VMEM((L, L), jnp.float32),
            pltpu.VMEM((L, L), jnp.float32),
            pltpu.VMEM((L,), jnp.float32),
            pltpu.VMEM((L,), jnp.float32),
            pltpu.SemaphoreType.DMA,
        ],
        compiler_params=pltpu.CompilerParams(needs_layout_passes=False),
    )
    def k(e16, t16, outa, outb, ebuf, tbuf, ecdf, tcdf, accv, badv, sem):
        wid = lax.axis_index("c") * 16 + lax.axis_index("s")
        cp1 = pltpu.async_copy(e16.at[pl.ds(wid * srows, srows), :], ebuf,
                               sem)
        cp2 = pltpu.async_copy(t16.at[pl.ds(wid * srows, srows), :], tbuf,
                               sem)
        cp1.wait()
        cp2.wait()

        def group(g, carry):
            acc, badf = carry
            (qe, bade), (qt, badt) = _scan_fast((ebuf, tbuf), (ecdf, tcdf), g)
            badrow = jnp.logical_or(badt, bade)
            s = jnp.zeros((L,), jnp.float32)
            for qti, qei in zip(qt, qe):
                s = s + jnp.abs(qti - qei)
            zf = jnp.zeros((L,), jnp.float32)
            acc = acc + jnp.where(badrow, zf, s)
            badf = badf + jnp.where(badrow, jnp.ones((L,), jnp.float32), zf)
            return acc, badf

        acc, badf = lax.fori_loop(
            0, ng, group,
            (jnp.zeros((L,), jnp.float32), jnp.zeros((L,), jnp.float32)))
        accv[...] = acc
        pltpu.sync_copy(accv, outa.at[wid])
        badv[...] = badf
        pltpu.sync_copy(badv, outb.at[wid])

    return k


@jax.jit
def kernel(p_estimate, p_target):
    B, N = p_estimate.shape
    denom = jnp.float32(B * len(PCTS))
    e16 = p_estimate[:, :L].reshape(B * L // 128, 128)
    t16 = p_target[:, :L].reshape(B * L // 128, 128)

    psum, pbad = _make_fast_call(B, N)(e16, t16)
    nbad = jnp.sum(pbad)

    def deep(_):
        return _deep_tc_loss(p_estimate, p_target)

    return lax.cond(nbad > 0, deep,
                    lambda _: jnp.sum(psum) / denom, None)

# --- scband reference (transcript-rebuilt; emitter-appended) ---
"""Pipeline reference for scband-mquantile-loss-23965917511808 (READ-ONLY COPY).

The authoritative reference and input builder live on the scoring server;
editing this copy changes nothing except your own understanding.
"""

import jax, jax.numpy as jnp
import numpy as np

B = 16384
N = 1000

def setup_inputs(seed: int = 0):
    key = jax.random.key(seed)
    k1, k2 = jax.random.split(key)
    p_estimate = jax.random.uniform(k1, (B, N), dtype=jnp.float32)
    p_target = jax.random.uniform(k2, (B, N), dtype=jnp.float32)
    return {"p_estimate": p_estimate, "p_target": p_target}


def _quantiles(cdf, percentiles):
    # cdf: [B, N]. For each percentile p, find first index i with cdf[i] >= p,
    # then linearly interpolate between (x[i-1], cdf[i-1]) and (x[i], cdf[i])
    # with x = arange(1, N+1); if i == 0 interpolate from (0, 0).
    outs = []
    for p in percentiles:
        ge = cdf >= p
        idx = jnp.argmax(ge, axis=1)  # first True along bins
        Yb = jnp.take_along_axis(cdf, idx[:, None], axis=1)[:, 0]
        Ya_prev = jnp.take_along_axis(cdf, jnp.maximum(idx - 1, 0)[:, None], axis=1)[:, 0]
        Ya = jnp.where(idx == 0, jnp.zeros_like(Ya_prev), Ya_prev)
        Xb = (idx + 1).astype(cdf.dtype)
        Xa = idx.astype(cdf.dtype)
        A = (Yb - Ya) / (Xb - Xa)
        Bc = Yb - A * Xb
        outs.append((p - Bc) / A)
    return jnp.stack(outs, axis=1)  # [B, len(percentiles)]


def reference(p_estimate, p_target):
    cdf_target = jnp.cumsum(p_target, axis=1)
    cdf_estimate = jnp.cumsum(p_estimate, axis=1)
    percentiles = [0.25, 0.5, 0.75]
    quan1 = _quantiles(cdf_target, percentiles)
    quan2 = _quantiles(cdf_estimate, percentiles)
    loss = jnp.abs(quan1 - quan2)
    return loss.mean()

if __name__ == "__main__":
    import jax
    _d = setup_inputs()
    print(jax.jit(kernel)(*tuple(_d.values())))

</pallas_src>

<mosaic_0001>
#map = affine_map<(d0, d1) -> (0, 0)>
module attributes {stable_mosaic.version = 14 : i64} {
  func.func @k(%arg0: i32, %arg1: i32, %arg2: memref<2048x128xf32, #tpu.memory_space<hbm>>, %arg3: memref<2048x128xf32, #tpu.memory_space<hbm>>, %arg4: memref<32x16xf32, #tpu.memory_space<hbm>>, %arg5: memref<32x16xf32, #tpu.memory_space<hbm>>, %arg6: memref<64x128xf32, #tpu.memory_space<vmem>>, %arg7: memref<64x128xf32, #tpu.memory_space<vmem>>, %arg8: memref<16x16xf32, #tpu.memory_space<vmem>>, %arg9: memref<16x16xf32, #tpu.memory_space<vmem>>, %arg10: memref<16xf32, #tpu.memory_space<vmem>>, %arg11: memref<16xf32, #tpu.memory_space<vmem>>, %arg12: memref<!tpu.dma_semaphore, #tpu.memory_space<semaphore_mem>>) attributes {dimension_semantics = [#tpu.dimension_semantics<core_parallel>, #tpu.dimension_semantics<subcore_parallel>], iteration_bounds = array<i64: 2, 16>, scalar_prefetch = 0 : i64, scratch_operands = 7 : i64, tpu.core_type = #tpu.core_type<sc_vector_subcore>, window_params = [{transform_indices = #map}, {transform_indices = #map}, {transform_indices = #map}, {transform_indices = #map}]} {
    %mul3A = arith.constant 16 : i32
    %mul3A_0 = arith.muli %arg0, %mul3A : i32
    %add3A = arith.addi %mul3A_0, %arg1 : i32
    %mul3A_1 = arith.constant 64 : i32
    %mul3A_2 = arith.muli %add3A, %mul3A_1 : i32
    %dma_start3A = arith.constant 0 : i32
    %dma_start3A_3 = tpu.memref_slice %arg2[%mul3A_2, %dma_start3A] : memref<2048x128xf32, #tpu.memory_space<hbm>> -> memref<64x128xf32, #tpu.memory_space<hbm>>
    %dma_start3A_4 = arith.constant 0 : i32
    %dma_start3A_5 = tpu.memref_slice %arg2[%mul3A_2, %dma_start3A_4] : memref<2048x128xf32, #tpu.memory_space<hbm>> -> memref<64x128xf32, #tpu.memory_space<hbm>>
    tpu.enqueue_dma source(%dma_start3A_5 : memref<64x128xf32, #tpu.memory_space<hbm>>) target(%arg6 : memref<64x128xf32, #tpu.memory_space<vmem>>) target_semaphore(%arg12 : memref<!tpu.dma_semaphore, #tpu.memory_space<semaphore_mem>>)
    %mul3A_6 = arith.constant 64 : i32
    %mul3A_7 = arith.muli %add3A, %mul3A_6 : i32
    %dma_start3A_8 = arith.constant 0 : i32
    %dma_start3A_9 = tpu.memref_slice %arg3[%mul3A_7, %dma_start3A_8] : memref<2048x128xf32, #tpu.memory_space<hbm>> -> memref<64x128xf32, #tpu.memory_space<hbm>>
    %dma_start3A_10 = arith.constant 0 : i32
    %dma_start3A_11 = tpu.memref_slice %arg3[%mul3A_7, %dma_start3A_10] : memref<2048x128xf32, #tpu.memory_space<hbm>> -> memref<64x128xf32, #tpu.memory_space<hbm>>
    tpu.enqueue_dma source(%dma_start3A_11 : memref<64x128xf32, #tpu.memory_space<hbm>>) target(%arg7 : memref<64x128xf32, #tpu.memory_space<vmem>>) target_semaphore(%arg12 : memref<!tpu.dma_semaphore, #tpu.memory_space<semaphore_mem>>)
    %dma_wait3A = arith.constant 0 : i32
    %dma_wait3A_12 = tpu.memref_slice %arg2[%mul3A_2, %dma_wait3A] : memref<2048x128xf32, #tpu.memory_space<hbm>> -> memref<64x128xf32, #tpu.memory_space<hbm>>
    %dma_wait3A_13 = arith.constant 0 : i32
    %dma_wait3A_14 = tpu.memref_slice %arg2[%mul3A_2, %dma_wait3A_13] : memref<2048x128xf32, #tpu.memory_space<hbm>> -> memref<64x128xf32, #tpu.memory_space<hbm>>
    tpu.wait_dma2 semaphore(%arg12 : memref<!tpu.dma_semaphore, #tpu.memory_space<semaphore_mem>>) src(%dma_wait3A_14 : memref<64x128xf32, #tpu.memory_space<hbm>>) dst(%arg6 : memref<64x128xf32, #tpu.memory_space<vmem>>)
    %dma_wait3A_15 = arith.constant 0 : i32
    %dma_wait3A_16 = tpu.memref_slice %arg3[%mul3A_7, %dma_wait3A_15] : memref<2048x128xf32, #tpu.memory_space<hbm>> -> memref<64x128xf32, #tpu.memory_space<hbm>>
    %dma_wait3A_17 = arith.constant 0 : i32
    %dma_wait3A_18 = tpu.memref_slice %arg3[%mul3A_7, %dma_wait3A_17] : memref<2048x128xf32, #tpu.memory_space<hbm>> -> memref<64x128xf32, #tpu.memory_space<hbm>>
    tpu.wait_dma2 semaphore(%arg12 : memref<!tpu.dma_semaphore, #tpu.memory_space<semaphore_mem>>) src(%dma_wait3A_18 : memref<64x128xf32, #tpu.memory_space<hbm>>) dst(%arg7 : memref<64x128xf32, #tpu.memory_space<vmem>>)
    %broadcast_in_dim3A = arith.constant 0.000000e+00 : f32
    %broadcast_in_dim3A_19 = vector.broadcast %broadcast_in_dim3A : f32 to vector<16xf32>
    %broadcast_in_dim3A_20 = arith.constant 0.000000e+00 : f32
    %broadcast_in_dim3A_21 = vector.broadcast %broadcast_in_dim3A_20 : f32 to vector<16xf32>
    %scan3A = arith.constant 0 : i32
    %scan3A_22 = arith.constant 32 : i32
    %scan3A_23 = arith.addi %scan3A, %scan3A_22 : i32
    %scan3A_24 = arith.constant 1 : i32
    %scan3A_25:2 = scf.for %scan3A_30 = %scan3A to %scan3A_23 step %scan3A_24 iter_args(%scan3A_31 = %broadcast_in_dim3A_19, %scan3A_32 = %broadcast_in_dim3A_21) -> (vector<16xf32>, vector<16xf32>)  : i32 {
      %iota3A = tpu.iota {dimensions = array<i32: 0>} : vector<16xi32>
      %mul3A_33 = arith.constant 16 : i32
      %mul3A_34 = vector.broadcast %mul3A_33 : i32 to vector<16xi32>
      %mul3A_35 = arith.muli %iota3A, %mul3A_34 : vector<16xi32>
      %broadcast_in_dim3A_36 = arith.constant 0 : i32
      %broadcast_in_dim3A_37 = vector.broadcast %broadcast_in_dim3A_36 : i32 to vector<16xi32>
      %broadcast_in_dim3A_38 = arith.constant 0.000000e+00 : f32
      %broadcast_in_dim3A_39 = vector.broadcast %broadcast_in_dim3A_38 : f32 to vector<16xf32>
      %broadcast_in_dim3A_40 = arith.constant 0.000000e+00 : f32
      %broadcast_in_dim3A_41 = vector.broadcast %broadcast_in_dim3A_40 : f32 to vector<16xf32>
      %mul3A_42 = arith.constant 256 : i32
      %mul3A_43 = arith.muli %scan3A_30, %mul3A_42 : i32
      %add3A_44 = arith.constant 0 : i32
      %add3A_45 = arith.addi %mul3A_43, %add3A_44 : i32
      %add3A_46 = vector.broadcast %add3A_45 : i32 to vector<16xi32>
      %add3A_47 = arith.addi %add3A_46, %mul3A_35 : vector<16xi32>
      %shift_right_logical3A = arith.constant 7 : i32
      %shift_right_logical3A_48 = vector.broadcast %shift_right_logical3A : i32 to vector<16xi32>
      %shift_right_logical3A_49 = arith.shrui %add3A_47, %shift_right_logical3A_48 : vector<16xi32>
      %and3A = arith.constant 127 : i32
      %and3A_50 = vector.broadcast %and3A : i32 to vector<16xi32>
      %and3A_51 = arith.andi %add3A_47, %and3A_50 : vector<16xi32>
      %gather3A = tpu.vector_load_idx %arg6[%shift_right_logical3A_49, %and3A_51] : memref<64x128xf32, #tpu.memory_space<vmem>>[vector<16xi32>, vector<16xi32>], vector<16xf32>,
      %gather3A_52 = tpu.vector_load_idx %arg7[%shift_right_logical3A_49, %and3A_51] : memref<64x128xf32, #tpu.memory_space<vmem>>[vector<16xi32>, vector<16xi32>], vector<16xf32>,
      %add3A_53 = arith.addf %broadcast_in_dim3A_39, %gather3A : vector<16xf32>
      %swap3A_54 = arith.constant 0 : i32
      %swap3A_55 = arith.index_cast %swap3A_54 : i32 to index
      %swap3A_56 = arith.constant 0 : index
      %swap3A_57 = tpu.vector_load %arg8[%swap3A_55, %swap3A_56] {strides = array<i32>} : memref<16x16xf32, #tpu.memory_space<vmem>>, vector<16xf32>,
      tpu.vector_store %arg8[%swap3A_55, %swap3A_56], %add3A_53 {strides = array<i32>} : memref<16x16xf32, #tpu.memory_space<vmem>>, vector<16xf32>,
      %lt3A = arith.constant 2.500000e-01 : f32
      %lt3A_58 = vector.broadcast %lt3A : f32 to vector<16xf32>
      %lt3A_59 = arith.cmpf olt, %add3A_53, %lt3A_58 : vector<16xf32>
      %convert_element_type3A = arith.extui %lt3A_59 : vector<16xi1> to vector<16xi32>
      %add3A_60 = arith.addi %broadcast_in_dim3A_37, %convert_element_type3A : vector<16xi32>
      %lt3A_61 = arith.constant 5.000000e-01 : f32
      %lt3A_62 = vector.broadcast %lt3A_61 : f32 to vector<16xf32>
      %lt3A_63 = arith.cmpf olt, %add3A_53, %lt3A_62 : vector<16xf32>
      %convert_element_type3A_64 = arith.extui %lt3A_63 : vector<16xi1> to vector<16xi32>
      %add3A_65 = arith.addi %broadcast_in_dim3A_37, %convert_element_type3A_64 : vector<16xi32>
      %lt3A_66 = arith.constant 7.500000e-01 : f32
      %lt3A_67 = vector.broadcast %lt3A_66 : f32 to vector<16xf32>
      %lt3A_68 = arith.cmpf olt, %add3A_53, %lt3A_67 : vector<16xf32>
      %convert_element_type3A_69 = arith.extui %lt3A_68 : vector<16xi1> to vector<16xi32>
      %add3A_70 = arith.addi %broadcast_in_dim3A_37, %convert_element_type3A_69 : vector<16xi32>
      %add3A_71 = arith.addf %broadcast_in_dim3A_41, %gather3A_52 : vector<16xf32>
      %swap3A_72 = arith.constant 0 : i32
      %swap3A_73 = arith.index_cast %swap3A_72 : i32 to index
      %swap3A_74 = arith.constant 0 : index
      %swap3A_75 = tpu.vector_load %arg9[%swap3A_73, %swap3A_74] {strides = array<i32>} : memref<16x16xf32, #tpu.memory_space<vmem>>, vector<16xf32>,
      tpu.vector_store %arg9[%swap3A_73, %swap3A_74], %add3A_71 {strides = array<i32>} : memref<16x16xf32, #tpu.memory_space<vmem>>, vector<16xf32>,
      %lt3A_76 = arith.constant 2.500000e-01 : f32
      %lt3A_77 = vector.broadcast %lt3A_76 : f32 to vector<16xf32>
      %lt3A_78 = arith.cmpf olt, %add3A_71, %lt3A_77 : vector<16xf32>
      %convert_element_type3A_79 = arith.extui %lt3A_78 : vector<16xi1> to vector<16xi32>
      %add3A_80 = arith.addi %broadcast_in_dim3A_37, %convert_element_type3A_79 : vector<16xi32>
      %lt3A_81 = arith.constant 5.000000e-01 : f32
      %lt3A_82 = vector.broadcast %lt3A_81 : f32 to vector<16xf32>
      %lt3A_83 = arith.cmpf olt, %add3A_71, %lt3A_82 : vector<16xf32>
      %convert_element_type3A_84 = arith.extui %lt3A_83 : vector<16xi1> to vector<16xi32>
      %add3A_85 = arith.addi %broadcast_in_dim3A_37, %convert_element_type3A_84 : vector<16xi32>
      %lt3A_86 = arith.constant 7.500000e-01 : f32
      %lt3A_87 = vector.broadcast %lt3A_86 : f32 to vector<16xf32>
      %lt3A_88 = arith.cmpf olt, %add3A_71, %lt3A_87 : vector<16xf32>
      %convert_element_type3A_89 = arith.extui %lt3A_88 : vector<16xi1> to vector<16xi32>
      %add3A_90 = arith.addi %broadcast_in_dim3A_37, %convert_element_type3A_89 : vector<16xi32>
      %mul3A_91 = arith.constant 256 : i32
      %mul3A_92 = arith.muli %scan3A_30, %mul3A_91 : i32
      %add3A_93 = arith.constant 1 : i32
      %add3A_94 = arith.addi %mul3A_92, %add3A_93 : i32
      %add3A_95 = vector.broadcast %add3A_94 : i32 to vector<16xi32>
      %add3A_96 = arith.addi %add3A_95, %mul3A_35 : vector<16xi32>
      %shift_right_logical3A_97 = arith.constant 7 : i32
      %shift_right_logical3A_98 = vector.broadcast %shift_right_logical3A_97 : i32 to vector<16xi32>
      %shift_right_logical3A_99 = arith.shrui %add3A_96, %shift_right_logical3A_98 : vector<16xi32>
      %and3A_100 = arith.constant 127 : i32
      %and3A_101 = vector.broadcast %and3A_100 : i32 to vector<16xi32>
      %and3A_102 = arith.andi %add3A_96, %and3A_101 : vector<16xi32>
      %gather3A_103 = tpu.vector_load_idx %arg6[%shift_right_logical3A_99, %and3A_102] : memref<64x128xf32, #tpu.memory_space<vmem>>[vector<16xi32>, vector<16xi32>], vector<16xf32>,
      %gather3A_104 = tpu.vector_load_idx %arg7[%shift_right_logical3A_99, %and3A_102] : memref<64x128xf32, #tpu.memory_space<vmem>>[vector<16xi32>, vector<16xi32>], vector<16xf32>,
      %add3A_105 = arith.addf %add3A_53, %gather3A_103 : vector<16xf32>
      %swap3A_106 = arith.constant 1 : i32
      %swap3A_107 = arith.index_cast %swap3A_106 : i32 to index
      %swap3A_108 = arith.constant 0 : index
      %swap3A_109 = tpu.vector_load %arg8[%swap3A_107, %swap3A_108] {strides = array<i32>} : memref<16x16xf32, #tpu.memory_space<vmem>>, vector<16xf32>,
      tpu.vector_store %arg8[%swap3A_107, %swap3A_108], %add3A_105 {strides = array<i32>} : memref<16x16xf32, #tpu.memory_space<vmem>>, vector<16xf32>,
      %lt3A_110 = arith.constant 2.500000e-01 : f32
      %lt3A_111 = vector.broadcast %lt3A_110 : f32 to vector<16xf32>
      %lt3A_112 = arith.cmpf olt, %add3A_105, %lt3A_111 : vector<16xf32>
      %convert_element_type3A_113 = arith.extui %lt3A_112 : vector<16xi1> to vector<16xi32>
      %add3A_114 = arith.addi %add3A_60, %convert_element_type3A_113 : vector<16xi32>
      %lt3A_115 = arith.constant 5.000000e-01 : f32
      %lt3A_116 = vector.broadcast %lt3A_115 : f32 to vector<16xf32>
      %lt3A_117 = arith.cmpf olt, %add3A_105, %lt3A_116 : vector<16xf32>
      %convert_element_type3A_118 = arith.extui %lt3A_117 : vector<16xi1> to vector<16xi32>
      %add3A_119 = arith.addi %add3A_65, %convert_element_type3A_118 : vector<16xi32>
      %lt3A_120 = arith.constant 7.500000e-01 : f32
      %lt3A_121 = vector.broadcast %lt3A_120 : f32 to vector<16xf32>
      %lt3A_122 = arith.cmpf olt, %add3A_105, %lt3A_121 : vector<16xf32>
      %convert_element_type3A_123 = arith.extui %lt3A_122 : vector<16xi1> to vector<16xi32>
      %add3A_124 = arith.addi %add3A_70, %convert_element_type3A_123 : vector<16xi32>
      %add3A_125 = arith.addf %add3A_71, %gather3A_104 : vector<16xf32>
      %swap3A_126 = arith.constant 1 : i32
      %swap3A_127 = arith.index_cast %swap3A_126 : i32 to index
      %swap3A_128 = arith.constant 0 : index
      %swap3A_129 = tpu.vector_load %arg9[%swap3A_127, %swap3A_128] {strides = array<i32>} : memref<16x16xf32, #tpu.memory_space<vmem>>, vector<16xf32>,
      tpu.vector_store %arg9[%swap3A_127, %swap3A_128], %add3A_125 {strides = array<i32>} : memref<16x16xf32, #tpu.memory_space<vmem>>, vector<16xf32>,
      %lt3A_130 = arith.constant 2.500000e-01 : f32
      %lt3A_131 = vector.broadcast %lt3A_130 : f32 to vector<16xf32>
      %lt3A_132 = arith.cmpf olt, %add3A_125, %lt3A_131 : vector<16xf32>
      %convert_element_type3A_133 = arith.extui %lt3A_132 : vector<16xi1> to vector<16xi32>
      %add3A_134 = arith.addi %add3A_80, %convert_element_type3A_133 : vector<16xi32>
      %lt3A_135 = arith.constant 5.000000e-01 : f32
      %lt3A_136 = vector.broadcast %lt3A_135 : f32 to vector<16xf32>
      %lt3A_137 = arith.cmpf olt, %add3A_125, %lt3A_136 : vector<16xf32>
      %convert_element_type3A_138 = arith.extui %lt3A_137 : vector<16xi1> to vector<16xi32>
      %add3A_139 = arith.addi %add3A_85, %convert_element_type3A_138 : vector<16xi32>
      %lt3A_140 = arith.constant 7.500000e-01 : f32
      %lt3A_141 = vector.broadcast %lt3A_140 : f32 to vector<16xf32>
      %lt3A_142 = arith.cmpf olt, %add3A_125, %lt3A_141 : vector<16xf32>
      %convert_element_type3A_143 = arith.extui %lt3A_142 : vector<16xi1> to vector<16xi32>
      %add3A_144 = arith.addi %add3A_90, %convert_element_type3A_143 : vector<16xi32>
      %mul3A_145 = arith.constant 256 : i32
      %mul3A_146 = arith.muli %scan3A_30, %mul3A_145 : i32
      %add3A_147 = arith.constant 2 : i32
      %add3A_148 = arith.addi %mul3A_146, %add3A_147 : i32
      %add3A_149 = vector.broadcast %add3A_148 : i32 to vector<16xi32>
      %add3A_150 = arith.addi %add3A_149, %mul3A_35 : vector<16xi32>
      %shift_right_logical3A_151 = arith.constant 7 : i32
      %shift_right_logical3A_152 = vector.broadcast %shift_right_logical3A_151 : i32 to vector<16xi32>
      %shift_right_logical3A_153 = arith.shrui %add3A_150, %shift_right_logical3A_152 : vector<16xi32>
      %and3A_154 = arith.constant 127 : i32
      %and3A_155 = vector.broadcast %and3A_154 : i32 to vector<16xi32>
      %and3A_156 = arith.andi %add3A_150, %and3A_155 : vector<16xi32>
      %gather3A_157 = tpu.vector_load_idx %arg6[%shift_right_logical3A_153, %and3A_156] : memref<64x128xf32, #tpu.memory_space<vmem>>[vector<16xi32>, vector<16xi32>], vector<16xf32>,
      %gather3A_158 = tpu.vector_load_idx %arg7[%shift_right_logical3A_153, %and3A_156] : memref<64x128xf32, #tpu.memory_space<vmem>>[vector<16xi32>, vector<16xi32>], vector<16xf32>,
      %add3A_159 = arith.addf %add3A_105, %gather3A_157 : vector<16xf32>
      %swap3A_160 = arith.constant 2 : i32
      %swap3A_161 = arith.index_cast %swap3A_160 : i32 to index
      %swap3A_162 = arith.constant 0 : index
      %swap3A_163 = tpu.vector_load %arg8[%swap3A_161, %swap3A_162] {strides = array<i32>} : memref<16x16xf32, #tpu.memory_space<vmem>>, vector<16xf32>,
      tpu.vector_store %arg8[%swap3A_161, %swap3A_162], %add3A_159 {strides = array<i32>} : memref<16x16xf32, #tpu.memory_space<vmem>>, vector<16xf32>,
      %lt3A_164 = arith.constant 2.500000e-01 : f32
      %lt3A_165 = vector.broadcast %lt3A_164 : f32 to vector<16xf32>
      %lt3A_166 = arith.cmpf olt, %add3A_159, %lt3A_165 : vector<16xf32>
      %convert_element_type3A_167 = arith.extui %lt3A_166 : vector<16xi1> to vector<16xi32>
      %add3A_168 = arith.addi %add3A_114, %convert_element_type3A_167 : vector<16xi32>
      %lt3A_169 = arith.constant 5.000000e-01 : f32
      %lt3A_170 = vector.broadcast %lt3A_169 : f32 to vector<16xf32>
      %lt3A_171 = arith.cmpf olt, %add3A_159, %lt3A_170 : vector<16xf32>
      %convert_element_type3A_172 = arith.extui %lt3A_171 : vector<16xi1> to vector<16xi32>
      %add3A_173 = arith.addi %add3A_119, %convert_element_type3A_172 : vector<16xi32>
      %lt3A_174 = arith.constant 7.500000e-01 : f32
      %lt3A_175 = vector.broadcast %lt3A_174 : f32 to vector<16xf32>
      %lt3A_176 = arith.cmpf olt, %add3A_159, %lt3A_175 : vector<16xf32>
      %convert_element_type3A_177 = arith.extui %lt3A_176 : vector<16xi1> to vector<16xi32>
      %add3A_178 = arith.addi %add3A_124, %convert_element_type3A_177 : vector<16xi32>
      %add3A_179 = arith.addf %add3A_125, %gather3A_158 : vector<16xf32>
      %swap3A_180 = arith.constant 2 : i32
      %swap3A_181 = arith.index_cast %swap3A_180 : i32 to index
      %swap3A_182 = arith.constant 0 : index
      %swap3A_183 = tpu.vector_load %arg9[%swap3A_181, %swap3A_182] {strides = array<i32>} : memref<16x16xf32, #tpu.memory_space<vmem>>, vector<16xf32>,
      tpu.vector_store %arg9[%swap3A_181, %swap3A_182], %add3A_179 {strides = array<i32>} : memref<16x16xf32, #tpu.memory_space<vmem>>, vector<16xf32>,
      %lt3A_184 = arith.constant 2.500000e-01 : f32
      %lt3A_185 = vector.broadcast %lt3A_184 : f32 to vector<16xf32>
      %lt3A_186 = arith.cmpf olt, %add3A_179, %lt3A_185 : vector<16xf32>
      %convert_element_type3A_187 = arith.extui %lt3A_186 : vector<16xi1> to vector<16xi32>
      %add3A_188 = arith.addi %add3A_134, %convert_element_type3A_187 : vector<16xi32>
      %lt3A_189 = arith.constant 5.000000e-01 : f32
      %lt3A_190 = vector.broadcast %lt3A_189 : f32 to vector<16xf32>
      %lt3A_191 = arith.cmpf olt, %add3A_179, %lt3A_190 : vector<16xf32>
      %convert_element_type3A_192 = arith.extui %lt3A_191 : vector<16xi1> to vector<16xi32>
      %add3A_193 = arith.addi %add3A_139, %convert_element_type3A_192 : vector<16xi32>
      %lt3A_194 = arith.constant 7.500000e-01 : f32
      %lt3A_195 = vector.broadcast %lt3A_194 : f32 to vector<16xf32>
      %lt3A_196 = arith.cmpf olt, %add3A_179, %lt3A_195 : vector<16xf32>
      %convert_element_type3A_197 = arith.extui %lt3A_196 : vector<16xi1> to vector<16xi32>
      %add3A_198 = arith.addi %add3A_144, %convert_element_type3A_197 : vector<16xi32>
      %mul3A_199 = arith.constant 256 : i32
      %mul3A_200 = arith.muli %scan3A_30, %mul3A_199 : i32
      %add3A_201 = arith.constant 3 : i32
      %add3A_202 = arith.addi %mul3A_200, %add3A_201 : i32
      %add3A_203 = vector.broadcast %add3A_202 : i32 to vector<16xi32>
      %add3A_204 = arith.addi %add3A_203, %mul3A_35 : vector<16xi32>
      %shift_right_logical3A_205 = arith.constant 7 : i32
      %shift_right_logical3A_206 = vector.broadcast %shift_right_logical3A_205 : i32 to vector<16xi32>
      %shift_right_logical3A_207 = arith.shrui %add3A_204, %shift_right_logical3A_206 : vector<16xi32>
      %and3A_208 = arith.constant 127 : i32
      %and3A_209 = vector.broadcast %and3A_208 : i32 to vector<16xi32>
      %and3A_210 = arith.andi %add3A_204, %and3A_209 : vector<16xi32>
      %gather3A_211 = tpu.vector_load_idx %arg6[%shift_right_logical3A_207, %and3A_210] : memref<64x128xf32, #tpu.memory_space<vmem>>[vector<16xi32>, vector<16xi32>], vector<16xf32>,
      %gather3A_212 = tpu.vector_load_idx %arg7[%shift_right_logical3A_207, %and3A_210] : memref<64x128xf32, #tpu.memory_space<vmem>>[vector<16xi32>, vector<16xi32>], vector<16xf32>,
      %add3A_213 = arith.addf %add3A_159, %gather3A_211 : vector<16xf32>
      %swap3A_214 = arith.constant 3 : i32
      %swap3A_215 = arith.index_cast %swap3A_214 : i32 to index
      %swap3A_216 = arith.constant 0 : index
      %swap3A_217 = tpu.vector_load %arg8[%swap3A_215, %swap3A_216] {strides = array<i32>} : memref<16x16xf32, #tpu.memory_space<vmem>>, vector<16xf32>,
      tpu.vector_store %arg8[%swap3A_215, %swap3A_216], %add3A_213 {strides = array<i32>} : memref<16x16xf32, #tpu.memory_space<vmem>>, vector<16xf32>,
      %lt3A_218 = arith.constant 2.500000e-01 : f32
      %lt3A_219 = vector.broadcast %lt3A_218 : f32 to vector<16xf32>
      %lt3A_220 = arith.cmpf olt, %add3A_213, %lt3A_219 : vector<16xf32>
      %convert_element_type3A_221 = arith.extui %lt3A_220 : vector<16xi1> to vector<16xi32>
      %add3A_222 = arith.addi %add3A_168, %convert_element_type3A_221 : vector<16xi32>
      %lt3A_223 = arith.constant 5.000000e-01 : f32
      %lt3A_224 = vector.broadcast %lt3A_223 : f32 to vector<16xf32>
      %lt3A_225 = arith.cmpf olt, %add3A_213, %lt3A_224 : vector<16xf32>
      %convert_element_type3A_226 = arith.extui %lt3A_225 : vector<16xi1> to vector<16xi32>
      %add3A_227 = arith.addi %add3A_173, %convert_element_type3A_226 : vector<16xi32>
      %lt3A_228 = arith.constant 7.500000e-01 : f32
      %lt3A_229 = vector.broadcast %lt3A_228 : f32 to vector<16xf32>
      %lt3A_230 = arith.cmpf olt, %add3A_213, %lt3A_229 : vector<16xf32>
      %convert_element_type3A_231 = arith.extui %lt3A_230 : vector<16xi1> to vector<16xi32>
      %add3A_232 = arith.addi %add3A_178, %convert_element_type3A_231 : vector<16xi32>
      %add3A_233 = arith.addf %add3A_179, %gather3A_212 : vector<16xf32>
      %swap3A_234 = arith.constant 3 : i32
      %swap3A_235 = arith.index_cast %swap3A_234 : i32 to index
      %swap3A_236 = arith.constant 0 : index
      %swap3A_237 = tpu.vector_load %arg9[%swap3A_235, %swap3A_236] {strides = array<i32>} : memref<16x16xf32, #tpu.memory_space<vmem>>, vector<16xf32>,
      tpu.vector_store %arg9[%swap3A_235, %swap3A_236], %add3A_233 {strides = array<i32>} : memref<16x16xf32, #tpu.memory_space<vmem>>, vector<16xf32>,
      %lt3A_238 = arith.constant 2.500000e-01 : f32
      %lt3A_239 = vector.broadcast %lt3A_238 : f32 to vector<16xf32>
      %lt3A_240 = arith.cmpf olt, %add3A_233, %lt3A_239 : vector<16xf32>
      %convert_element_type3A_241 = arith.extui %lt3A_240 : vector<16xi1> to vector<16xi32>
      %add3A_242 = arith.addi %add3A_188, %convert_element_type3A_241 : vector<16xi32>
      %lt3A_243 = arith.constant 5.000000e-01 : f32
      %lt3A_244 = vector.broadcast %lt3A_243 : f32 to vector<16xf32>
      %lt3A_245 = arith.cmpf olt, %add3A_233, %lt3A_244 : vector<16xf32>
      %convert_element_type3A_246 = arith.extui %lt3A_245 : vector<16xi1> to vector<16xi32>
      %add3A_247 = arith.addi %add3A_193, %convert_element_type3A_246 : vector<16xi32>
      %lt3A_248 = arith.constant 7.500000e-01 : f32
      %lt3A_249 = vector.broadcast %lt3A_248 : f32 to vector<16xf32>
      %lt3A_250 = arith.cmpf olt, %add3A_233, %lt3A_249 : vector<16xf32>
      %convert_element_type3A_251 = arith.extui %lt3A_250 : vector<16xi1> to vector<16xi32>
      %add3A_252 = arith.addi %add3A_198, %convert_element_type3A_251 : vector<16xi32>
      %mul3A_253 = arith.constant 256 : i32
      %mul3A_254 = arith.muli %scan3A_30, %mul3A_253 : i32
      %add3A_255 = arith.constant 4 : i32
      %add3A_256 = arith.addi %mul3A_254, %add3A_255 : i32
      %add3A_257 = vector.broadcast %add3A_256 : i32 to vector<16xi32>
      %add3A_258 = arith.addi %add3A_257, %mul3A_35 : vector<16xi32>
      %shift_right_logical3A_259 = arith.constant 7 : i32
      %shift_right_logical3A_260 = vector.broadcast %shift_right_logical3A_259 : i32 to vector<16xi32>
      %shift_right_logical3A_261 = arith.shrui %add3A_258, %shift_right_logical3A_260 : vector<16xi32>
      %and3A_262 = arith.constant 127 : i32
      %and3A_263 = vector.broadcast %and3A_262 : i32 to vector<16xi32>
      %and3A_264 = arith.andi %add3A_258, %and3A_263 : vector<16xi32>
      %gather3A_265 = tpu.vector_load_idx %arg6[%shift_right_logical3A_261, %and3A_264] : memref<64x128xf32, #tpu.memory_space<vmem>>[vector<16xi32>, vector<16xi32>], vector<16xf32>,
      %gather3A_266 = tpu.vector_load_idx %arg7[%shift_right_logical3A_261, %and3A_264] : memref<64x128xf32, #tpu.memory_space<vmem>>[vector<16xi32>, vector<16xi32>], vector<16xf32>,
      %add3A_267 = arith.addf %add3A_213, %gather3A_265 : vector<16xf32>
      %swap3A_268 = arith.constant 4 : i32
      %swap3A_269 = arith.index_cast %swap3A_268 : i32 to index
      %swap3A_270 = arith.constant 0 : index
      %swap3A_271 = tpu.vector_load %arg8[%swap3A_269, %swap3A_270] {strides = array<i32>} : memref<16x16xf32, #tpu.memory_space<vmem>>, vector<16xf32>,
      tpu.vector_store %arg8[%swap3A_269, %swap3A_270], %add3A_267 {strides = array<i32>} : memref<16x16xf32, #tpu.memory_space<vmem>>, vector<16xf32>,
      %lt3A_272 = arith.constant 2.500000e-01 : f32
      %lt3A_273 = vector.broadcast %lt3A_272 : f32 to vector<16xf32>
      %lt3A_274 = arith.cmpf olt, %add3A_267, %lt3A_273 : vector<16xf32>
      %convert_element_type3A_275 = arith.extui %lt3A_274 : vector<16xi1> to vector<16xi32>
      %add3A_276 = arith.addi %add3A_222, %convert_element_type3A_275 : vector<16xi32>
      %lt3A_277 = arith.constant 5.000000e-01 : f32
      %lt3A_278 = vector.broadcast %lt3A_277 : f32 to vector<16xf32>
      %lt3A_279 = arith.cmpf olt, %add3A_267, %lt3A_278 : vector<16xf32>
      %convert_element_type3A_280 = arith.extui %lt3A_279 : vector<16xi1> to vector<16xi32>
      %add3A_281 = arith.addi %add3A_227, %convert_element_type3A_280 : vector<16xi32>
      %lt3A_282 = arith.constant 7.500000e-01 : f32
      %lt3A_283 = vector.broadcast %lt3A_282 : f32 to vector<16xf32>
      %lt3A_284 = arith.cmpf olt, %add3A_267, %lt3A_283 : vector<16xf32>
      %convert_element_type3A_285 = arith.extui %lt3A_284 : vector<16xi1> to vector<16xi32>
      %add3A_286 = arith.addi %add3A_232, %convert_element_type3A_285 : vector<16xi32>
      %add3A_287 = arith.addf %add3A_233, %gather3A_266 : vector<16xf32>
      %swap3A_288 = arith.constant 4 : i32
      %swap3A_289 = arith.index_cast %swap3A_288 : i32 to index
      %swap3A_290 = arith.constant 0 : index
      %swap3A_291 = tpu.vector_load %arg9[%swap3A_289, %swap3A_290] {strides = array<i32>} : memref<16x16xf32, #tpu.memory_space<vmem>>, vector<16xf32>,
      tpu.vector_store %arg9[%swap3A_289, %swap3A_290], %add3A_287 {strides = array<i32>} : memref<16x16xf32, #tpu.memory_space<vmem>>, vector<16xf32>,
      %lt3A_292 = arith.constant 2.500000e-01 : f32
      %lt3A_293 = vector.broadcast %lt3A_292 : f32 to vector<16xf32>
      %lt3A_294 = arith.cmpf olt, %add3A_287, %lt3A_293 : vector<16xf32>
      %convert_element_type3A_295 = arith.extui %lt3A_294 : vector<16xi1> to vector<16xi32>
      %add3A_296 = arith.addi %add3A_242, %convert_element_type3A_295 : vector<16xi32>
      %lt3A_297 = arith.constant 5.000000e-01 : f32
      %lt3A_298 = vector.broadcast %lt3A_297 : f32 to vector<16xf32>
      %lt3A_299 = arith.cmpf olt, %add3A_287, %lt3A_298 : vector<16xf32>
      %convert_element_type3A_300 = arith.extui %lt3A_299 : vector<16xi1> to vector<16xi32>
      %add3A_301 = arith.addi %add3A_247, %convert_element_type3A_300 : vector<16xi32>
      %lt3A_302 = arith.constant 7.500000e-01 : f32
      %lt3A_303 = vector.broadcast %lt3A_302 : f32 to vector<16xf32>
      %lt3A_304 = arith.cmpf olt, %add3A_287, %lt3A_303 : vector<16xf32>
      %convert_element_type3A_305 = arith.extui %lt3A_304 : vector<16xi1> to vector<16xi32>
      %add3A_306 = arith.addi %add3A_252, %convert_element_type3A_305 : vector<16xi32>
      %mul3A_307 = arith.constant 256 : i32
      %mul3A_308 = arith.muli %scan3A_30, %mul3A_307 : i32
      %add3A_309 = arith.constant 5 : i32
      %add3A_310 = arith.addi %mul3A_308, %add3A_309 : i32
      %add3A_311 = vector.broadcast %add3A_310 : i32 to vector<16xi32>
      %add3A_312 = arith.addi %add3A_311, %mul3A_35 : vector<16xi32>
      %shift_right_logical3A_313 = arith.constant 7 : i32
      %shift_right_logical3A_314 = vector.broadcast %shift_right_logical3A_313 : i32 to vector<16xi32>
      %shift_right_logical3A_315 = arith.shrui %add3A_312, %shift_right_logical3A_314 : vector<16xi32>
      %and3A_316 = arith.constant 127 : i32
      %and3A_317 = vector.broadcast %and3A_316 : i32 to vector<16xi32>
      %and3A_318 = arith.andi %add3A_312, %and3A_317 : vector<16xi32>
      %gather3A_319 = tpu.vector_load_idx %arg6[%shift_right_logical3A_315, %and3A_318] : memref<64x128xf32, #tpu.memory_space<vmem>>[vector<16xi32>, vector<16xi32>], vector<16xf32>,
      %gather3A_320 = tpu.vector_load_idx %arg7[%shift_right_logical3A_315, %and3A_318] : memref<64x128xf32, #tpu.memory_space<vmem>>[vector<16xi32>, vector<16xi32>], vector<16xf32>,
      %add3A_321 = arith.addf %add3A_267, %gather3A_319 : vector<16xf32>
      %swap3A_322 = arith.constant 5 : i32
      %swap3A_323 = arith.index_cast %swap3A_322 : i32 to index
      %swap3A_324 = arith.constant 0 : index
      %swap3A_325 = tpu.vector_load %arg8[%swap3A_323, %swap3A_324] {strides = array<i32>} : memref<16x16xf32, #tpu.memory_space<vmem>>, vector<16xf32>,
      tpu.vector_store %arg8[%swap3A_323, %swap3A_324], %add3A_321 {strides = array<i32>} : memref<16x16xf32, #tpu.memory_space<vmem>>, vector<16xf32>,
      %lt3A_326 = arith.constant 2.500000e-01 : f32
      %lt3A_327 = vector.broadcast %lt3A_326 : f32 to vector<16xf32>
      %lt3A_328 = arith.cmpf olt, %add3A_321, %lt3A_327 : vector<16xf32>
      %convert_element_type3A_329 = arith.extui %lt3A_328 : vector<16xi1> to vector<16xi32>
      %add3A_330 = arith.addi %add3A_276, %convert_element_type3A_329 : vector<16xi32>
      %lt3A_331 = arith.constant 5.000000e-01 : f32
      %lt3A_332 = vector.broadcast %lt3A_331 : f32 to vector<16xf32>
      %lt3A_333 = arith.cmpf olt, %add3A_321, %lt3A_332 : vector<16xf32>
      %convert_element_type3A_334 = arith.extui %lt3A_333 : vector<16xi1> to vector<16xi32>
      %add3A_335 = arith.addi %add3A_281, %convert_element_type3A_334 : vector<16xi32>
      %lt3A_336 = arith.constant 7.500000e-01 : f32
      %lt3A_337 = vector.broadcast %lt3A_336 : f32 to vector<16xf32>
      %lt3A_338 = arith.cmpf olt, %add3A_321, %lt3A_337 : vector<16xf32>
      %convert_element_type3A_339 = arith.extui %lt3A_338 : vector<16xi1> to vector<16xi32>
      %add3A_340 = arith.addi %add3A_286, %convert_element_type3A_339 : vector<16xi32>
      %add3A_341 = arith.addf %add3A_287, %gather3A_320 : vector<16xf32>
      %swap3A_342 = arith.constant 5 : i32
      %swap3A_343 = arith.index_cast %swap3A_342 : i32 to index
      %swap3A_344 = arith.constant 0 : index
      %swap3A_345 = tpu.vector_load %arg9[%swap3A_343, %swap3A_344] {strides = array<i32>} : memref<16x16xf32, #tpu.memory_space<vmem>>, vector<16xf32>,
      tpu.vector_store %arg9[%swap3A_343, %swap3A_344], %add3A_341 {strides = array<i32>} : memref<16x16xf32, #tpu.memory_space<vmem>>, vector<16xf32>,
      %lt3A_346 = arith.constant 2.500000e-01 : f32
      %lt3A_347 = vector.broadcast %lt3A_346 : f32 to vector<16xf32>
      %lt3A_348 = arith.cmpf olt, %add3A_341, %lt3A_347 : vector<16xf32>
      %convert_element_type3A_349 = arith.extui %lt3A_348 : vector<16xi1> to vector<16xi32>
      %add3A_350 = arith.addi %add3A_296, %convert_element_type3A_349 : vector<16xi32>
      %lt3A_351 = arith.constant 5.000000e-01 : f32
      %lt3A_352 = vector.broadcast %lt3A_351 : f32 to vector<16xf32>
      %lt3A_353 = arith.cmpf olt, %add3A_341, %lt3A_352 : vector<16xf32>
      %convert_element_type3A_354 = arith.extui %lt3A_353 : vector<16xi1> to vector<16xi32>
      %add3A_355 = arith.addi %add3A_301, %convert_element_type3A_354 : vector<16xi32>
      %lt3A_356 = arith.constant 7.500000e-01 : f32
      %lt3A_357 = vector.broadcast %lt3A_356 : f32 to vector<16xf32>
      %lt3A_358 = arith.cmpf olt, %add3A_341, %lt3A_357 : vector<16xf32>
      %convert_element_type3A_359 = arith.extui %lt3A_358 : vector<16xi1> to vector<16xi32>
      %add3A_360 = arith.addi %add3A_306, %convert_element_type3A_359 : vector<16xi32>
      %mul3A_361 = arith.constant 256 : i32
      %mul3A_362 = arith.muli %scan3A_30, %mul3A_361 : i32
      %add3A_363 = arith.constant 6 : i32
      %add3A_364 = arith.addi %mul3A_362, %add3A_363 : i32
      %add3A_365 = vector.broadcast %add3A_364 : i32 to vector<16xi32>
      %add3A_366 = arith.addi %add3A_365, %mul3A_35 : vector<16xi32>
      %shift_right_logical3A_367 = arith.constant 7 : i32
      %shift_right_logical3A_368 = vector.broadcast %shift_right_logical3A_367 : i32 to vector<16xi32>
      %shift_right_logical3A_369 = arith.shrui %add3A_366, %shift_right_logical3A_368 : vector<16xi32>
      %and3A_370 = arith.constant 127 : i32
      %and3A_371 = vector.broadcast %and3A_370 : i32 to vector<16xi32>
      %and3A_372 = arith.andi %add3A_366, %and3A_371 : vector<16xi32>
      %gather3A_373 = tpu.vector_load_idx %arg6[%shift_right_logical3A_369, %and3A_372] : memref<64x128xf32, #tpu.memory_space<vmem>>[vector<16xi32>, vector<16xi32>], vector<16xf32>,
      %gather3A_374 = tpu.vector_load_idx %arg7[%shift_right_logical3A_369, %and3A_372] : memref<64x128xf32, #tpu.memory_space<vmem>>[vector<16xi32>, vector<16xi32>], vector<16xf32>,
      %add3A_375 = arith.addf %add3A_321, %gather3A_373 : vector<16xf32>
      %swap3A_376 = arith.constant 6 : i32
      %swap3A_377 = arith.index_cast %swap3A_376 : i32 to index
      %swap3A_378 = arith.constant 0 : index
      %swap3A_379 = tpu.vector_load %arg8[%swap3A_377, %swap3A_378] {strides = array<i32>} : memref<16x16xf32, #tpu.memory_space<vmem>>, vector<16xf32>,
      tpu.vector_store %arg8[%swap3A_377, %swap3A_378], %add3A_375 {strides = array<i32>} : memref<16x16xf32, #tpu.memory_space<vmem>>, vector<16xf32>,
      %lt3A_380 = arith.constant 2.500000e-01 : f32
      %lt3A_381 = vector.broadcast %lt3A_380 : f32 to vector<16xf32>
      %lt3A_382 = arith.cmpf olt, %add3A_375, %lt3A_381 : vector<16xf32>
      %convert_element_type3A_383 = arith.extui %lt3A_382 : vector<16xi1> to vector<16xi32>
      %add3A_384 = arith.addi %add3A_330, %convert_element_type3A_383 : vector<16xi32>
      %lt3A_385 = arith.constant 5.000000e-01 : f32
      %lt3A_386 = vector.broadcast %lt3A_385 : f32 to vector<16xf32>
      %lt3A_387 = arith.cmpf olt, %add3A_375, %lt3A_386 : vector<16xf32>
      %convert_element_type3A_388 = arith.extui %lt3A_387 : vector<16xi1> to vector<16xi32>
      %add3A_389 = arith.addi %add3A_335, %convert_element_type3A_388 : vector<16xi32>
      %lt3A_390 = arith.constant 7.500000e-01 : f32
      %lt3A_391 = vector.broadcast %lt3A_390 : f32 to vector<16xf32>
      %lt3A_392 = arith.cmpf olt, %add3A_375, %lt3A_391 : vector<16xf32>
      %convert_element_type3A_393 = arith.extui %lt3A_392 : vector<16xi1> to vector<16xi32>
      %add3A_394 = arith.addi %add3A_340, %convert_element_type3A_393 : vector<16xi32>
      %add3A_395 = arith.addf %add3A_341, %gather3A_374 : vector<16xf32>
      %swap3A_396 = arith.constant 6 : i32
      %swap3A_397 = arith.index_cast %swap3A_396 : i32 to index
      %swap3A_398 = arith.constant 0 : index
      %swap3A_399 = tpu.vector_load %arg9[%swap3A_397, %swap3A_398] {strides = array<i32>} : memref<16x16xf32, #tpu.memory_space<vmem>>, vector<16xf32>,
      tpu.vector_store %arg9[%swap3A_397, %swap3A_398], %add3A_395 {strides = array<i32>} : memref<16x16xf32, #tpu.memory_space<vmem>>, vector<16xf32>,
      %lt3A_400 = arith.constant 2.500000e-01 : f32
      %lt3A_401 = vector.broadcast %lt3A_400 : f32 to vector<16xf32>
      %lt3A_402 = arith.cmpf olt, %add3A_395, %lt3A_401 : vector<16xf32>
      %convert_element_type3A_403 = arith.extui %lt3A_402 : vector<16xi1> to vector<16xi32>
      %add3A_404 = arith.addi %add3A_350, %convert_element_type3A_403 : vector<16xi32>
      %lt3A_405 = arith.constant 5.000000e-01 : f32
      %lt3A_406 = vector.broadcast %lt3A_405 : f32 to vector<16xf32>
      %lt3A_407 = arith.cmpf olt, %add3A_395, %lt3A_406 : vector<16xf32>
      %convert_element_type3A_408 = arith.extui %lt3A_407 : vector<16xi1> to vector<16xi32>
      %add3A_409 = arith.addi %add3A_355, %convert_element_type3A_408 : vector<16xi32>
      %lt3A_410 = arith.constant 7.500000e-01 : f32
      %lt3A_411 = vector.broadcast %lt3A_410 : f32 to vector<16xf32>
      %lt3A_412 = arith.cmpf olt, %add3A_395, %lt3A_411 : vector<16xf32>
      %convert_element_type3A_413 = arith.extui %lt3A_412 : vector<16xi1> to vector<16xi32>
      %add3A_414 = arith.addi %add3A_360, %convert_element_type3A_413 : vector<16xi32>
      %mul3A_415 = arith.constant 256 : i32
      %mul3A_416 = arith.muli %scan3A_30, %mul3A_415 : i32
      %add3A_417 = arith.constant 7 : i32
      %add3A_418 = arith.addi %mul3A_416, %add3A_417 : i32
      %add3A_419 = vector.broadcast %add3A_418 : i32 to vector<16xi32>
      %add3A_420 = arith.addi %add3A_419, %mul3A_35 : vector<16xi32>
      %shift_right_logical3A_421 = arith.constant 7 : i32
      %shift_right_logical3A_422 = vector.broadcast %shift_right_logical3A_421 : i32 to vector<16xi32>
      %shift_right_logical3A_423 = arith.shrui %add3A_420, %shift_right_logical3A_422 : vector<16xi32>
      %and3A_424 = arith.constant 127 : i32
      %and3A_425 = vector.broadcast %and3A_424 : i32 to vector<16xi32>
      %and3A_426 = arith.andi %add3A_420, %and3A_425 : vector<16xi32>
      %gather3A_427 = tpu.vector_load_idx %arg6[%shift_right_logical3A_423, %and3A_426] : memref<64x128xf32, #tpu.memory_space<vmem>>[vector<16xi32>, vector<16xi32>], vector<16xf32>,
      %gather3A_428 = tpu.vector_load_idx %arg7[%shift_right_logical3A_423, %and3A_426] : memref<64x128xf32, #tpu.memory_space<vmem>>[vector<16xi32>, vector<16xi32>], vector<16xf32>,
      %add3A_429 = arith.addf %add3A_375, %gather3A_427 : vector<16xf32>
      %swap3A_430 = arith.constant 7 : i32
      %swap3A_431 = arith.index_cast %swap3A_430 : i32 to index
      %swap3A_432 = arith.constant 0 : index
      %swap3A_433 = tpu.vector_load %arg8[%swap3A_431, %swap3A_432] {strides = array<i32>} : memref<16x16xf32, #tpu.memory_space<vmem>>, vector<16xf32>,
      tpu.vector_store %arg8[%swap3A_431, %swap3A_432], %add3A_429 {strides = array<i32>} : memref<16x16xf32, #tpu.memory_space<vmem>>, vector<16xf32>,
      %lt3A_434 = arith.constant 2.500000e-01 : f32
      %lt3A_435 = vector.broadcast %lt3A_434 : f32 to vector<16xf32>
      %lt3A_436 = arith.cmpf olt, %add3A_429, %lt3A_435 : vector<16xf32>
      %convert_element_type3A_437 = arith.extui %lt3A_436 : vector<16xi1> to vector<16xi32>
      %add3A_438 = arith.addi %add3A_384, %convert_element_type3A_437 : vector<16xi32>
      %lt3A_439 = arith.constant 5.000000e-01 : f32
      %lt3A_440 = vector.broadcast %lt3A_439 : f32 to vector<16xf32>
      %lt3A_441 = arith.cmpf olt, %add3A_429, %lt3A_440 : vector<16xf32>
      %convert_element_type3A_442 = arith.extui %lt3A_441 : vector<16xi1> to vector<16xi32>
      %add3A_443 = arith.addi %add3A_389, %convert_element_type3A_442 : vector<16xi32>
      %lt3A_444 = arith.constant 7.500000e-01 : f32
      %lt3A_445 = vector.broadcast %lt3A_444 : f32 to vector<16xf32>
      %lt3A_446 = arith.cmpf olt, %add3A_429, %lt3A_445 : vector<16xf32>
      %convert_element_type3A_447 = arith.extui %lt3A_446 : vector<16xi1> to vector<16xi32>
      %add3A_448 = arith.addi %add3A_394, %convert_element_type3A_447 : vector<16xi32>
      %add3A_449 = arith.addf %add3A_395, %gather3A_428 : vector<16xf32>
      %swap3A_450 = arith.constant 7 : i32
      %swap3A_451 = arith.index_cast %swap3A_450 : i32 to index
      %swap3A_452 = arith.constant 0 : index
      %swap3A_453 = tpu.vector_load %arg9[%swap3A_451, %swap3A_452] {strides = array<i32>} : memref<16x16xf32, #tpu.memory_space<vmem>>, vector<16xf32>,
      tpu.vector_store %arg9[%swap3A_451, %swap3A_452], %add3A_449 {strides = array<i32>} : memref<16x16xf32, #tpu.memory_space<vmem>>, vector<16xf32>,
      %lt3A_454 = arith.constant 2.500000e-01 : f32
      %lt3A_455 = vector.broadcast %lt3A_454 : f32 to vector<16xf32>
      %lt3A_456 = arith.cmpf olt, %add3A_449, %lt3A_455 : vector<16xf32>
      %convert_element_type3A_457 = arith.extui %lt3A_456 : vector<16xi1> to vector<16xi32>
      %add3A_458 = arith.addi %add3A_404, %convert_element_type3A_457 : vector<16xi32>
      %lt3A_459 = arith.constant 5.000000e-01 : f32
      %lt3A_460 = vector.broadcast %lt3A_459 : f32 to vector<16xf32>
      %lt3A_461 = arith.cmpf olt, %add3A_449, %lt3A_460 : vector<16xf32>
      %convert_element_type3A_462 = arith.extui %lt3A_461 : vector<16xi1> to vector<16xi32>
      %add3A_463 = arith.addi %add3A_409, %convert_element_type3A_462 : vector<16xi32>
      %lt3A_464 = arith.constant 7.500000e-01 : f32
      %lt3A_465 = vector.broadcast %lt3A_464 : f32 to vector<16xf32>
      %lt3A_466 = arith.cmpf olt, %add3A_449, %lt3A_465 : vector<16xf32>
      %convert_element_type3A_467 = arith.extui %lt3A_466 : vector<16xi1> to vector<16xi32>
      %add3A_468 = arith.addi %add3A_414, %convert_element_type3A_467 : vector<16xi32>
      %ge3A = arith.constant 7.500000e-01 : f32
      %ge3A_469 = vector.broadcast %ge3A : f32 to vector<16xf32>
      %ge3A_470 = arith.cmpf oge, %add3A_429, %ge3A_469 : vector<16xf32>
      %reduce_and3A = arith.constant 1.000000e+00 : f32
      %reduce_and3A_471 = arith.constant 0.000000e+00 : f32
      %reduce_and3A_472 = vector.broadcast %reduce_and3A : f32 to vector<16xf32>
      %reduce_and3A_473 = vector.broadcast %reduce_and3A_471 : f32 to vector<16xf32>
      %reduce_and3A_474 = arith.select %ge3A_470, %reduce_and3A_472, %reduce_and3A_473 : vector<16xi1>, vector<16xf32>
      %reduce_and3A_475 = arith.constant true
      %reduce_and3A_476 = vector.broadcast %reduce_and3A_475 : i1 to vector<16xi1>
      %reduce_and3A_477 = tpu.scan <min>, %reduce_and3A_474 masked %reduce_and3A_476 : vector<16xf32>, vector<16xi1> -> vector<16xf32>
      %reduce_and3A_478 = vector.extract %reduce_and3A_477[15] : f32 from vector<16xf32>
      %reduce_and3A_479 = arith.constant 0.000000e+00 : f32
      %reduce_and3A_480 = arith.cmpf ogt, %reduce_and3A_478, %reduce_and3A_479 : f32
      %ge3A_481 = arith.constant 7.500000e-01 : f32
      %ge3A_482 = vector.broadcast %ge3A_481 : f32 to vector<16xf32>
      %ge3A_483 = arith.cmpf oge, %add3A_449, %ge3A_482 : vector<16xf32>
      %reduce_and3A_484 = arith.constant 1.000000e+00 : f32
      %reduce_and3A_485 = arith.constant 0.000000e+00 : f32
      %reduce_and3A_486 = vector.broadcast %reduce_and3A_484 : f32 to vector<16xf32>
      %reduce_and3A_487 = vector.broadcast %reduce_and3A_485 : f32 to vector<16xf32>
      %reduce_and3A_488 = arith.select %ge3A_483, %reduce_and3A_486, %reduce_and3A_487 : vector<16xi1>, vector<16xf32>
      %reduce_and3A_489 = arith.constant true
      %reduce_and3A_490 = vector.broadcast %reduce_and3A_489 : i1 to vector<16xi1>
      %reduce_and3A_491 = tpu.scan <min>, %reduce_and3A_488 masked %reduce_and3A_490 : vector<16xf32>, vector<16xi1> -> vector<16xf32>
      %reduce_and3A_492 = vector.extract %reduce_and3A_491[15] : f32 from vector<16xf32>
      %reduce_and3A_493 = arith.constant 0.000000e+00 : f32
      %reduce_and3A_494 = arith.cmpf ogt, %reduce_and3A_492, %reduce_and3A_493 : f32
      %and3A_495 = arith.andi %reduce_and3A_480, %reduce_and3A_494 : i1
      %convert_element_type3A_496 = arith.extui %and3A_495 : i1 to i32
      %cond3A = arith.constant 0 : i32
      %cond3A_497 = arith.cmpi ne, %convert_element_type3A_496, %cond3A : i32
      %cond3A_498:8 = scf.if %cond3A_497 -> (vector<16xf32>, vector<16xi32>, vector<16xi32>, vector<16xi32>, vector<16xf32>, vector<16xi32>, vector<16xi32>, vector<16xi32>) {
        scf.yield %add3A_429, %add3A_438, %add3A_443, %add3A_448, %add3A_449, %add3A_458, %add3A_463, %add3A_468 : vector<16xf32>, vector<16xi32>, vector<16xi32>, vector<16xi32>, vector<16xf32>, vector<16xi32>, vector<16xi32>, vector<16xi32>
      } else {
        %scan3A_679 = arith.constant 8 : i32
        %scan3A_680 = arith.constant 8 : i32
        %scan3A_681 = arith.addi %scan3A_679, %scan3A_680 : i32
        %scan3A_682 = arith.constant 1 : i32
        %scan3A_683:8 = scf.for %scan3A_685 = %scan3A_679 to %scan3A_681 step %scan3A_682 iter_args(%scan3A_686 = %add3A_429, %scan3A_687 = %add3A_438, %scan3A_688 = %add3A_443, %scan3A_689 = %add3A_448, %scan3A_690 = %add3A_449, %scan3A_691 = %add3A_458, %scan3A_692 = %add3A_463, %scan3A_693 = %add3A_468) -> (vector<16xf32>, vector<16xi32>, vector<16xi32>, vector<16xi32>, vector<16xf32>, vector<16xi32>, vector<16xi32>, vector<16xi32>)  : i32 {
          %mul3A_694 = arith.constant 256 : i32
          %mul3A_695 = arith.muli %scan3A_30, %mul3A_694 : i32
          %add3A_696 = arith.addi %mul3A_695, %scan3A_685 : i32
          %add3A_697 = vector.broadcast %add3A_696 : i32 to vector<16xi32>
          %add3A_698 = arith.addi %add3A_697, %mul3A_35 : vector<16xi32>
          %shift_right_logical3A_699 = arith.constant 7 : i32
          %shift_right_logical3A_700 = vector.broadcast %shift_right_logical3A_699 : i32 to vector<16xi32>
          %shift_right_logical3A_701 = arith.shrui %add3A_698, %shift_right_logical3A_700 : vector<16xi32>
          %and3A_702 = arith.constant 127 : i32
          %and3A_703 = vector.broadcast %and3A_702 : i32 to vector<16xi32>
          %and3A_704 = arith.andi %add3A_698, %and3A_703 : vector<16xi32>
          %gather3A_705 = tpu.vector_load_idx %arg6[%shift_right_logical3A_701, %and3A_704] : memref<64x128xf32, #tpu.memory_space<vmem>>[vector<16xi32>, vector<16xi32>], vector<16xf32>,
          %gather3A_706 = tpu.vector_load_idx %arg7[%shift_right_logical3A_701, %and3A_704] : memref<64x128xf32, #tpu.memory_space<vmem>>[vector<16xi32>, vector<16xi32>], vector<16xf32>,
          %add3A_707 = arith.addf %scan3A_686, %gather3A_705 : vector<16xf32>
          %broadcast_in_dim3A_708 = vector.broadcast %scan3A_685 : i32 to vector<16xi32>
          tpu.vector_store_idx %arg8[%broadcast_in_dim3A_708, %iota3A], %add3A_707 : memref<16x16xf32, #tpu.memory_space<vmem>>[vector<16xi32>, vector<16xi32>], vector<16xf32>,
          %lt3A_709 = arith.constant 2.500000e-01 : f32
          %lt3A_710 = vector.broadcast %lt3A_709 : f32 to vector<16xf32>
          %lt3A_711 = arith.cmpf olt, %add3A_707, %lt3A_710 : vector<16xf32>
          %convert_element_type3A_712 = arith.extui %lt3A_711 : vector<16xi1> to vector<16xi32>
          %add3A_713 = arith.addi %scan3A_687, %convert_element_type3A_712 : vector<16xi32>
          %lt3A_714 = arith.constant 5.000000e-01 : f32
          %lt3A_715 = vector.broadcast %lt3A_714 : f32 to vector<16xf32>
          %lt3A_716 = arith.cmpf olt, %add3A_707, %lt3A_715 : vector<16xf32>
          %convert_element_type3A_717 = arith.extui %lt3A_716 : vector<16xi1> to vector<16xi32>
          %add3A_718 = arith.addi %scan3A_688, %convert_element_type3A_717 : vector<16xi32>
          %lt3A_719 = arith.constant 7.500000e-01 : f32
          %lt3A_720 = vector.broadcast %lt3A_719 : f32 to vector<16xf32>
          %lt3A_721 = arith.cmpf olt, %add3A_707, %lt3A_720 : vector<16xf32>
          %convert_element_type3A_722 = arith.extui %lt3A_721 : vector<16xi1> to vector<16xi32>
          %add3A_723 = arith.addi %scan3A_689, %convert_element_type3A_722 : vector<16xi32>
          %add3A_724 = arith.addf %scan3A_690, %gather3A_706 : vector<16xf32>
          %broadcast_in_dim3A_725 = vector.broadcast %scan3A_685 : i32 to vector<16xi32>
          tpu.vector_store_idx %arg9[%broadcast_in_dim3A_725, %iota3A], %add3A_724 : memref<16x16xf32, #tpu.memory_space<vmem>>[vector<16xi32>, vector<16xi32>], vector<16xf32>,
          %lt3A_726 = arith.constant 2.500000e-01 : f32
          %lt3A_727 = vector.broadcast %lt3A_726 : f32 to vector<16xf32>
          %lt3A_728 = arith.cmpf olt, %add3A_724, %lt3A_727 : vector<16xf32>
          %convert_element_type3A_729 = arith.extui %lt3A_728 : vector<16xi1> to vector<16xi32>
          %add3A_730 = arith.addi %scan3A_691, %convert_element_type3A_729 : vector<16xi32>
          %lt3A_731 = arith.constant 5.000000e-01 : f32
          %lt3A_732 = vector.broadcast %lt3A_731 : f32 to vector<16xf32>
          %lt3A_733 = arith.cmpf olt, %add3A_724, %lt3A_732 : vector<16xf32>
          %convert_element_type3A_734 = arith.extui %lt3A_733 : vector<16xi1> to vector<16xi32>
          %add3A_735 = arith.addi %scan3A_692, %convert_element_type3A_734 : vector<16xi32>
          %lt3A_736 = arith.constant 7.500000e-01 : f32
          %lt3A_737 = vector.broadcast %lt3A_736 : f32 to vector<16xf32>
          %lt3A_738 = arith.cmpf olt, %add3A_724, %lt3A_737 : vector<16xf32>
          %convert_element_type3A_739 = arith.extui %lt3A_738 : vector<16xi1> to vector<16xi32>
          %add3A_740 = arith.addi %scan3A_693, %convert_element_type3A_739 : vector<16xi32>
          scf.yield %add3A_707, %add3A_713, %add3A_718, %add3A_723, %add3A_724, %add3A_730, %add3A_735, %add3A_740 : vector<16xf32>, vector<16xi32>, vector<16xi32>, vector<16xi32>, vector<16xf32>, vector<16xi32>, vector<16xi32>, vector<16xi32>
        }
        %scan3A_684 = arith.constant 8 : i32
        scf.yield %scan3A_683#0, %scan3A_683#1, %scan3A_683#2, %scan3A_683#3, %scan3A_683#4, %scan3A_683#5, %scan3A_683#6, %scan3A_683#7 : vector<16xf32>, vector<16xi32>, vector<16xi32>, vector<16xi32>, vector<16xf32>, vector<16xi32>, vector<16xi32>, vector<16xi32>
      }
      %ge3A_499 = arith.constant 16 : i32
      %ge3A_500 = vector.broadcast %ge3A_499 : i32 to vector<16xi32>
      %ge3A_501 = arith.cmpi sge, %cond3A_498#3, %ge3A_500 : vector<16xi32>
      %min3A = arith.constant 15 : i32
      %min3A_502 = vector.broadcast %min3A : i32 to vector<16xi32>
      %min3A_503 = arith.minsi %cond3A_498#1, %min3A_502 : vector<16xi32>
      %gather3A_504 = tpu.vector_load_idx %arg8[%min3A_503, %iota3A] : memref<16x16xf32, #tpu.memory_space<vmem>>[vector<16xi32>, vector<16xi32>], vector<16xf32>,
      %sub3A = arith.constant 1 : i32
      %sub3A_505 = vector.broadcast %sub3A : i32 to vector<16xi32>
      %sub3A_506 = arith.subi %min3A_503, %sub3A_505 : vector<16xi32>
      %max3A = arith.constant 0 : i32
      %max3A_507 = vector.broadcast %max3A : i32 to vector<16xi32>
      %max3A_508 = arith.maxsi %sub3A_506, %max3A_507 : vector<16xi32>
      %gather3A_509 = tpu.vector_load_idx %arg8[%max3A_508, %iota3A] : memref<16x16xf32, #tpu.memory_space<vmem>>[vector<16xi32>, vector<16xi32>], vector<16xf32>,
      %eq3A = arith.constant 0 : i32
      %eq3A_510 = vector.broadcast %eq3A : i32 to vector<16xi32>
      %eq3A_511 = arith.cmpi eq, %cond3A_498#1, %eq3A_510 : vector<16xi32>
      %broadcast_in_dim3A_512 = arith.constant 0.000000e+00 : f32
      %broadcast_in_dim3A_513 = vector.broadcast %broadcast_in_dim3A_512 : f32 to vector<16xf32>
      %select_n3A = arith.select %eq3A_511, %broadcast_in_dim3A_513, %gather3A_509 : vector<16xi1>, vector<16xf32>
      %convert_element_type3A_514 = arith.sitofp %cond3A_498#1 : vector<16xi32> to vector<16xf32>
      %add3A_515 = arith.constant 1.000000e+00 : f32
      %add3A_516 = vector.broadcast %add3A_515 : f32 to vector<16xf32>
      %add3A_517 = arith.addf %convert_element_type3A_514, %add3A_516 : vector<16xf32>
      %sub3A_518 = arith.constant 2.500000e-01 : f32
      %sub3A_519 = vector.broadcast %sub3A_518 : f32 to vector<16xf32>
      %sub3A_520 = arith.subf %sub3A_519, %gather3A_504 : vector<16xf32>
      %sub3A_521 = arith.subf %gather3A_504, %select_n3A : vector<16xf32>
      %div3A = arith.divf %sub3A_520, %sub3A_521 : vector<16xf32>
      %add3A_522 = arith.addf %add3A_517, %div3A : vector<16xf32>
      %min3A_523 = arith.constant 15 : i32
      %min3A_524 = vector.broadcast %min3A_523 : i32 to vector<16xi32>
      %min3A_525 = arith.minsi %cond3A_498#2, %min3A_524 : vector<16xi32>
      %gather3A_526 = tpu.vector_load_idx %arg8[%min3A_525, %iota3A] : memref<16x16xf32, #tpu.memory_space<vmem>>[vector<16xi32>, vector<16xi32>], vector<16xf32>,
      %sub3A_527 = arith.constant 1 : i32
      %sub3A_528 = vector.broadcast %sub3A_527 : i32 to vector<16xi32>
      %sub3A_529 = arith.subi %min3A_525, %sub3A_528 : vector<16xi32>
      %max3A_530 = arith.constant 0 : i32
      %max3A_531 = vector.broadcast %max3A_530 : i32 to vector<16xi32>
      %max3A_532 = arith.maxsi %sub3A_529, %max3A_531 : vector<16xi32>
      %gather3A_533 = tpu.vector_load_idx %arg8[%max3A_532, %iota3A] : memref<16x16xf32, #tpu.memory_space<vmem>>[vector<16xi32>, vector<16xi32>], vector<16xf32>,
      %eq3A_534 = arith.constant 0 : i32
      %eq3A_535 = vector.broadcast %eq3A_534 : i32 to vector<16xi32>
      %eq3A_536 = arith.cmpi eq, %cond3A_498#2, %eq3A_535 : vector<16xi32>
      %broadcast_in_dim3A_537 = arith.constant 0.000000e+00 : f32
      %broadcast_in_dim3A_538 = vector.broadcast %broadcast_in_dim3A_537 : f32 to vector<16xf32>
      %select_n3A_539 = arith.select %eq3A_536, %broadcast_in_dim3A_538, %gather3A_533 : vector<16xi1>, vector<16xf32>
      %convert_element_type3A_540 = arith.sitofp %cond3A_498#2 : vector<16xi32> to vector<16xf32>
      %add3A_541 = arith.constant 1.000000e+00 : f32
      %add3A_542 = vector.broadcast %add3A_541 : f32 to vector<16xf32>
      %add3A_543 = arith.addf %convert_element_type3A_540, %add3A_542 : vector<16xf32>
      %sub3A_544 = arith.constant 5.000000e-01 : f32
      %sub3A_545 = vector.broadcast %sub3A_544 : f32 to vector<16xf32>
      %sub3A_546 = arith.subf %sub3A_545, %gather3A_526 : vector<16xf32>
      %sub3A_547 = arith.subf %gather3A_526, %select_n3A_539 : vector<16xf32>
      %div3A_548 = arith.divf %sub3A_546, %sub3A_547 : vector<16xf32>
      %add3A_549 = arith.addf %add3A_543, %div3A_548 : vector<16xf32>
      %min3A_550 = arith.constant 15 : i32
      %min3A_551 = vector.broadcast %min3A_550 : i32 to vector<16xi32>
      %min3A_552 = arith.minsi %cond3A_498#3, %min3A_551 : vector<16xi32>
      %gather3A_553 = tpu.vector_load_idx %arg8[%min3A_552, %iota3A] : memref<16x16xf32, #tpu.memory_space<vmem>>[vector<16xi32>, vector<16xi32>], vector<16xf32>,
      %sub3A_554 = arith.constant 1 : i32
      %sub3A_555 = vector.broadcast %sub3A_554 : i32 to vector<16xi32>
      %sub3A_556 = arith.subi %min3A_552, %sub3A_555 : vector<16xi32>
      %max3A_557 = arith.constant 0 : i32
      %max3A_558 = vector.broadcast %max3A_557 : i32 to vector<16xi32>
      %max3A_559 = arith.maxsi %sub3A_556, %max3A_558 : vector<16xi32>
      %gather3A_560 = tpu.vector_load_idx %arg8[%max3A_559, %iota3A] : memref<16x16xf32, #tpu.memory_space<vmem>>[vector<16xi32>, vector<16xi32>], vector<16xf32>,
      %eq3A_561 = arith.constant 0 : i32
      %eq3A_562 = vector.broadcast %eq3A_561 : i32 to vector<16xi32>
      %eq3A_563 = arith.cmpi eq, %cond3A_498#3, %eq3A_562 : vector<16xi32>
      %broadcast_in_dim3A_564 = arith.constant 0.000000e+00 : f32
      %broadcast_in_dim3A_565 = vector.broadcast %broadcast_in_dim3A_564 : f32 to vector<16xf32>
      %select_n3A_566 = arith.select %eq3A_563, %broadcast_in_dim3A_565, %gather3A_560 : vector<16xi1>, vector<16xf32>
      %convert_element_type3A_567 = arith.sitofp %cond3A_498#3 : vector<16xi32> to vector<16xf32>
      %add3A_568 = arith.constant 1.000000e+00 : f32
      %add3A_569 = vector.broadcast %add3A_568 : f32 to vector<16xf32>
      %add3A_570 = arith.addf %convert_element_type3A_567, %add3A_569 : vector<16xf32>
      %sub3A_571 = arith.constant 7.500000e-01 : f32
      %sub3A_572 = vector.broadcast %sub3A_571 : f32 to vector<16xf32>
      %sub3A_573 = arith.subf %sub3A_572, %gather3A_553 : vector<16xf32>
      %sub3A_574 = arith.subf %gather3A_553, %select_n3A_566 : vector<16xf32>
      %div3A_575 = arith.divf %sub3A_573, %sub3A_574 : vector<16xf32>
      %add3A_576 = arith.addf %add3A_570, %div3A_575 : vector<16xf32>
      %ge3A_577 = arith.constant 16 : i32
      %ge3A_578 = vector.broadcast %ge3A_577 : i32 to vector<16xi32>
      %ge3A_579 = arith.cmpi sge, %cond3A_498#7, %ge3A_578 : vector<16xi32>
      %min3A_580 = arith.constant 15 : i32
      %min3A_581 = vector.broadcast %min3A_580 : i32 to vector<16xi32>
      %min3A_582 = arith.minsi %cond3A_498#5, %min3A_581 : vector<16xi32>
      %gather3A_583 = tpu.vector_load_idx %arg9[%min3A_582, %iota3A] : memref<16x16xf32, #tpu.memory_space<vmem>>[vector<16xi32>, vector<16xi32>], vector<16xf32>,
      %sub3A_584 = arith.constant 1 : i32
      %sub3A_585 = vector.broadcast %sub3A_584 : i32 to vector<16xi32>
      %sub3A_586 = arith.subi %min3A_582, %sub3A_585 : vector<16xi32>
      %max3A_587 = arith.constant 0 : i32
      %max3A_588 = vector.broadcast %max3A_587 : i32 to vector<16xi32>
      %max3A_589 = arith.maxsi %sub3A_586, %max3A_588 : vector<16xi32>
      %gather3A_590 = tpu.vector_load_idx %arg9[%max3A_589, %iota3A] : memref<16x16xf32, #tpu.memory_space<vmem>>[vector<16xi32>, vector<16xi32>], vector<16xf32>,
      %eq3A_591 = arith.constant 0 : i32
      %eq3A_592 = vector.broadcast %eq3A_591 : i32 to vector<16xi32>
      %eq3A_593 = arith.cmpi eq, %cond3A_498#5, %eq3A_592 : vector<16xi32>
      %broadcast_in_dim3A_594 = arith.constant 0.000000e+00 : f32
      %broadcast_in_dim3A_595 = vector.broadcast %broadcast_in_dim3A_594 : f32 to vector<16xf32>
      %select_n3A_596 = arith.select %eq3A_593, %broadcast_in_dim3A_595, %gather3A_590 : vector<16xi1>, vector<16xf32>
      %convert_element_type3A_597 = arith.sitofp %cond3A_498#5 : vector<16xi32> to vector<16xf32>
      %add3A_598 = arith.constant 1.000000e+00 : f32
      %add3A_599 = vector.broadcast %add3A_598 : f32 to vector<16xf32>
      %add3A_600 = arith.addf %convert_element_type3A_597, %add3A_599 : vector<16xf32>
      %sub3A_601 = arith.constant 2.500000e-01 : f32
      %sub3A_602 = vector.broadcast %sub3A_601 : f32 to vector<16xf32>
      %sub3A_603 = arith.subf %sub3A_602, %gather3A_583 : vector<16xf32>
      %sub3A_604 = arith.subf %gather3A_583, %select_n3A_596 : vector<16xf32>
      %div3A_605 = arith.divf %sub3A_603, %sub3A_604 : vector<16xf32>
      %add3A_606 = arith.addf %add3A_600, %div3A_605 : vector<16xf32>
      %min3A_607 = arith.constant 15 : i32
      %min3A_608 = vector.broadcast %min3A_607 : i32 to vector<16xi32>
      %min3A_609 = arith.minsi %cond3A_498#6, %min3A_608 : vector<16xi32>
      %gather3A_610 = tpu.vector_load_idx %arg9[%min3A_609, %iota3A] : memref<16x16xf32, #tpu.memory_space<vmem>>[vector<16xi32>, vector<16xi32>], vector<16xf32>,
      %sub3A_611 = arith.constant 1 : i32
      %sub3A_612 = vector.broadcast %sub3A_611 : i32 to vector<16xi32>
      %sub3A_613 = arith.subi %min3A_609, %sub3A_612 : vector<16xi32>
      %max3A_614 = arith.constant 0 : i32
      %max3A_615 = vector.broadcast %max3A_614 : i32 to vector<16xi32>
      %max3A_616 = arith.maxsi %sub3A_613, %max3A_615 : vector<16xi32>
      %gather3A_617 = tpu.vector_load_idx %arg9[%max3A_616, %iota3A] : memref<16x16xf32, #tpu.memory_space<vmem>>[vector<16xi32>, vector<16xi32>], vector<16xf32>,
      %eq3A_618 = arith.constant 0 : i32
      %eq3A_619 = vector.broadcast %eq3A_618 : i32 to vector<16xi32>
      %eq3A_620 = arith.cmpi eq, %cond3A_498#6, %eq3A_619 : vector<16xi32>
      %broadcast_in_dim3A_621 = arith.constant 0.000000e+00 : f32
      %broadcast_in_dim3A_622 = vector.broadcast %broadcast_in_dim3A_621 : f32 to vector<16xf32>
      %select_n3A_623 = arith.select %eq3A_620, %broadcast_in_dim3A_622, %gather3A_617 : vector<16xi1>, vector<16xf32>
      %convert_element_type3A_624 = arith.sitofp %cond3A_498#6 : vector<16xi32> to vector<16xf32>
      %add3A_625 = arith.constant 1.000000e+00 : f32
      %add3A_626 = vector.broadcast %add3A_625 : f32 to vector<16xf32>
      %add3A_627 = arith.addf %convert_element_type3A_624, %add3A_626 : vector<16xf32>
      %sub3A_628 = arith.constant 5.000000e-01 : f32
      %sub3A_629 = vector.broadcast %sub3A_628 : f32 to vector<16xf32>
      %sub3A_630 = arith.subf %sub3A_629, %gather3A_610 : vector<16xf32>
      %sub3A_631 = arith.subf %gather3A_610, %select_n3A_623 : vector<16xf32>
      %div3A_632 = arith.divf %sub3A_630, %sub3A_631 : vector<16xf32>
      %add3A_633 = arith.addf %add3A_627, %div3A_632 : vector<16xf32>
      %min3A_634 = arith.constant 15 : i32
      %min3A_635 = vector.broadcast %min3A_634 : i32 to vector<16xi32>
      %min3A_636 = arith.minsi %cond3A_498#7, %min3A_635 : vector<16xi32>
      %gather3A_637 = tpu.vector_load_idx %arg9[%min3A_636, %iota3A] : memref<16x16xf32, #tpu.memory_space<vmem>>[vector<16xi32>, vector<16xi32>], vector<16xf32>,
      %sub3A_638 = arith.constant 1 : i32
      %sub3A_639 = vector.broadcast %sub3A_638 : i32 to vector<16xi32>
      %sub3A_640 = arith.subi %min3A_636, %sub3A_639 : vector<16xi32>
      %max3A_641 = arith.constant 0 : i32
      %max3A_642 = vector.broadcast %max3A_641 : i32 to vector<16xi32>
      %max3A_643 = arith.maxsi %sub3A_640, %max3A_642 : vector<16xi32>
      %gather3A_644 = tpu.vector_load_idx %arg9[%max3A_643, %iota3A] : memref<16x16xf32, #tpu.memory_space<vmem>>[vector<16xi32>, vector<16xi32>], vector<16xf32>,
      %eq3A_645 = arith.constant 0 : i32
      %eq3A_646 = vector.broadcast %eq3A_645 : i32 to vector<16xi32>
      %eq3A_647 = arith.cmpi eq, %cond3A_498#7, %eq3A_646 : vector<16xi32>
      %broadcast_in_dim3A_648 = arith.constant 0.000000e+00 : f32
      %broadcast_in_dim3A_649 = vector.broadcast %broadcast_in_dim3A_648 : f32 to vector<16xf32>
      %select_n3A_650 = arith.select %eq3A_647, %broadcast_in_dim3A_649, %gather3A_644 : vector<16xi1>, vector<16xf32>
      %convert_element_type3A_651 = arith.sitofp %cond3A_498#7 : vector<16xi32> to vector<16xf32>
      %add3A_652 = arith.constant 1.000000e+00 : f32
      %add3A_653 = vector.broadcast %add3A_652 : f32 to vector<16xf32>
      %add3A_654 = arith.addf %convert_element_type3A_651, %add3A_653 : vector<16xf32>
      %sub3A_655 = arith.constant 7.500000e-01 : f32
      %sub3A_656 = vector.broadcast %sub3A_655 : f32 to vector<16xf32>
      %sub3A_657 = arith.subf %sub3A_656, %gather3A_637 : vector<16xf32>
      %sub3A_658 = arith.subf %gather3A_637, %select_n3A_650 : vector<16xf32>
      %div3A_659 = arith.divf %sub3A_657, %sub3A_658 : vector<16xf32>
      %add3A_660 = arith.addf %add3A_654, %div3A_659 : vector<16xf32>
      %or3A = arith.ori %ge3A_579, %ge3A_501 : vector<16xi1>
      %broadcast_in_dim3A_661 = arith.constant 0.000000e+00 : f32
      %broadcast_in_dim3A_662 = vector.broadcast %broadcast_in_dim3A_661 : f32 to vector<16xf32>
      %sub3A_663 = arith.subf %add3A_606, %add3A_522 : vector<16xf32>
      %abs3A = math.absf %sub3A_663 : vector<16xf32>
      %add3A_664 = arith.addf %broadcast_in_dim3A_662, %abs3A : vector<16xf32>
      %sub3A_665 = arith.subf %add3A_633, %add3A_549 : vector<16xf32>
      %abs3A_666 = math.absf %sub3A_665 : vector<16xf32>
      %add3A_667 = arith.addf %add3A_664, %abs3A_666 : vector<16xf32>
      %sub3A_668 = arith.subf %add3A_660, %add3A_576 : vector<16xf32>
      %abs3A_669 = math.absf %sub3A_668 : vector<16xf32>
      %add3A_670 = arith.addf %add3A_667, %abs3A_669 : vector<16xf32>
      %broadcast_in_dim3A_671 = arith.constant 0.000000e+00 : f32
      %broadcast_in_dim3A_672 = vector.broadcast %broadcast_in_dim3A_671 : f32 to vector<16xf32>
      %select_n3A_673 = arith.select %or3A, %broadcast_in_dim3A_672, %add3A_670 : vector<16xi1>, vector<16xf32>
      %add3A_674 = arith.addf %scan3A_31, %select_n3A_673 : vector<16xf32>
      %broadcast_in_dim3A_675 = arith.constant 1.000000e+00 : f32
      %broadcast_in_dim3A_676 = vector.broadcast %broadcast_in_dim3A_675 : f32 to vector<16xf32>
      %select_n3A_677 = arith.select %or3A, %broadcast_in_dim3A_676, %broadcast_in_dim3A_672 : vector<16xi1>, vector<16xf32>
      %add3A_678 = arith.addf %scan3A_32, %select_n3A_677 : vector<16xf32>
      scf.yield %add3A_674, %add3A_678 : vector<16xf32>, vector<16xf32>
    }
    %scan3A_26 = arith.constant 32 : i32
    %swap3A = arith.constant 0 : index
    %swap3A_27 = tpu.vector_load %arg10[%swap3A] {strides = array<i32>} : memref<16xf32, #tpu.memory_space<vmem>>, vector<16xf32>,
    tpu.vector_store %arg10[%swap3A], %scan3A_25#0 {strides = array<i32>} : memref<16xf32, #tpu.memory_space<vmem>>, vector<16xf32>,
    "tpu.region"() ({
      %run_scoped3A = tpu.sem_alloc : memref<!tpu.dma_semaphore, #tpu.memory_space<semaphore_mem>>
      %dma_start3A_30 = arith.constant 0 : i32
      %dma_start3A_31 = tpu.memref_slice %arg4[%add3A, %dma_start3A_30] : memref<32x16xf32, #tpu.memory_space<hbm>> -> memref<1x16xf32, #tpu.memory_space<hbm>>
      %dma_start3A_32 = tpu.memref_squeeze %dma_start3A_31 : memref<1x16xf32, #tpu.memory_space<hbm>> -> memref<16xf32, #tpu.memory_space<hbm>>
      %dma_start3A_33 = arith.constant 0 : i32
      %dma_start3A_34 = tpu.memref_slice %arg4[%add3A, %dma_start3A_33] : memref<32x16xf32, #tpu.memory_space<hbm>> -> memref<1x16xf32, #tpu.memory_space<hbm>>
      %dma_start3A_35 = tpu.memref_squeeze %dma_start3A_34 : memref<1x16xf32, #tpu.memory_space<hbm>> -> memref<16xf32, #tpu.memory_space<hbm>>
      tpu.enqueue_dma source(%arg10 : memref<16xf32, #tpu.memory_space<vmem>>) target(%dma_start3A_35 : memref<16xf32, #tpu.memory_space<hbm>>) target_semaphore(%run_scoped3A : memref<!tpu.dma_semaphore, #tpu.memory_space<semaphore_mem>>)
      %dma_wait3A_36 = arith.constant 0 : i32
      %dma_wait3A_37 = tpu.memref_slice %arg4[%add3A, %dma_wait3A_36] : memref<32x16xf32, #tpu.memory_space<hbm>> -> memref<1x16xf32, #tpu.memory_space<hbm>>
      %dma_wait3A_38 = tpu.memref_squeeze %dma_wait3A_37 : memref<1x16xf32, #tpu.memory_space<hbm>> -> memref<16xf32, #tpu.memory_space<hbm>>
      %dma_wait3A_39 = arith.constant 0 : i32
      %dma_wait3A_40 = tpu.memref_slice %arg4[%add3A, %dma_wait3A_39] : memref<32x16xf32, #tpu.memory_space<hbm>> -> memref<1x16xf32, #tpu.memory_space<hbm>>
      %dma_wait3A_41 = tpu.memref_squeeze %dma_wait3A_40 : memref<1x16xf32, #tpu.memory_space<hbm>> -> memref<16xf32, #tpu.memory_space<hbm>>
      tpu.wait_dma2 semaphore(%run_scoped3A : memref<!tpu.dma_semaphore, #tpu.memory_space<semaphore_mem>>) src(%arg10 : memref<16xf32, #tpu.memory_space<vmem>>) dst(%dma_wait3A_41 : memref<16xf32, #tpu.memory_space<hbm>>)
      tpu.yield
    }) : () -> ()
    %swap3A_28 = arith.constant 0 : index
    %swap3A_29 = tpu.vector_load %arg11[%swap3A_28] {strides = array<i32>} : memref<16xf32, #tpu.memory_space<vmem>>, vector<16xf32>,
    tpu.vector_store %arg11[%swap3A_28], %scan3A_25#1 {strides = array<i32>} : memref<16xf32, #tpu.memory_space<vmem>>, vector<16xf32>,
    "tpu.region"() ({
      %run_scoped3A = tpu.sem_alloc : memref<!tpu.dma_semaphore, #tpu.memory_space<semaphore_mem>>
      %dma_start3A_30 = arith.constant 0 : i32
      %dma_start3A_31 = tpu.memref_slice %arg5[%add3A, %dma_start3A_30] : memref<32x16xf32, #tpu.memory_space<hbm>> -> memref<1x16xf32, #tpu.memory_space<hbm>>
      %dma_start3A_32 = tpu.memref_squeeze %dma_start3A_31 : memref<1x16xf32, #tpu.memory_space<hbm>> -> memref<16xf32, #tpu.memory_space<hbm>>
      %dma_start3A_33 = arith.constant 0 : i32
      %dma_start3A_34 = tpu.memref_slice %arg5[%add3A, %dma_start3A_33] : memref<32x16xf32, #tpu.memory_space<hbm>> -> memref<1x16xf32, #tpu.memory_space<hbm>>
      %dma_start3A_35 = tpu.memref_squeeze %dma_start3A_34 : memref<1x16xf32, #tpu.memory_space<hbm>> -> memref<16xf32, #tpu.memory_space<hbm>>
      tpu.enqueue_dma source(%arg11 : memref<16xf32, #tpu.memory_space<vmem>>) target(%dma_start3A_35 : memref<16xf32, #tpu.memory_space<hbm>>) target_semaphore(%run_scoped3A : memref<!tpu.dma_semaphore, #tpu.memory_space<semaphore_mem>>)
      %dma_wait3A_36 = arith.constant 0 : i32
      %dma_wait3A_37 = tpu.memref_slice %arg5[%add3A, %dma_wait3A_36] : memref<32x16xf32, #tpu.memory_space<hbm>> -> memref<1x16xf32, #tpu.memory_space<hbm>>
      %dma_wait3A_38 = tpu.memref_squeeze %dma_wait3A_37 : memref<1x16xf32, #tpu.memory_space<hbm>> -> memref<16xf32, #tpu.memory_space<hbm>>
      %dma_wait3A_39 = arith.constant 0 : i32
      %dma_wait3A_40 = tpu.memref_slice %arg5[%add3A, %dma_wait3A_39] : memref<32x16xf32, #tpu.memory_space<hbm>> -> memref<1x16xf32, #tpu.memory_space<hbm>>
      %dma_wait3A_41 = tpu.memref_squeeze %dma_wait3A_40 : memref<1x16xf32, #tpu.memory_space<hbm>> -> memref<16xf32, #tpu.memory_space<hbm>>
      tpu.wait_dma2 semaphore(%run_scoped3A : memref<!tpu.dma_semaphore, #tpu.memory_space<semaphore_mem>>) src(%arg11 : memref<16xf32, #tpu.memory_space<vmem>>) dst(%dma_wait3A_41 : memref<16xf32, #tpu.memory_space<hbm>>)
      tpu.yield
    }) : () -> ()
    return
  }
}

module attributes {stable_mosaic.version = 14 : i64} {
  func.func @_deep_tc_body(%arg0: i32, %arg1: memref<256x1000xf32, #tpu.memory_space<vmem>>, %arg2: memref<256x1000xf32, #tpu.memory_space<vmem>>, %arg3: memref<256x128xf32, #tpu.memory_space<vmem>>) attributes {dimension_semantics = [#tpu.dimension_semantics<arbitrary>], iteration_bounds = array<i64: 64>, scalar_prefetch = 0 : i64, scratch_operands = 0 : i64, tpu.core_type = #tpu.core_type<tc>, window_params = [{transform_indices = @transform_0, window_bounds = array<i64: 256, 1000>}, {transform_indices = @transform_1, window_bounds = array<i64: 256, 1000>}, {transform_indices = @transform_2, window_bounds = array<i64: 256, 128>}]} {
    %get3A = arith.constant 0 : index
    %get3A_0 = arith.constant 0 : index
    %get3A_1 = vector.load %arg1[%get3A, %get3A_0] : memref<256x1000xf32, #tpu.memory_space<vmem>>, vector<256x1000xf32>
    %iota3A = tpu.iota {dimensions = array<i32: 1>} : vector<256x1000xi32>
    %ge3A = arith.constant 1 : i32
    %ge3A_2 = vector.broadcast %ge3A : i32 to vector<256x1000xi32>
    %ge3A_3 = arith.cmpi sge, %iota3A, %ge3A_2 : vector<256x1000xi32>
    %slice3A = vector.extract_strided_slice %get3A_1 {offsets = [0, 999], sizes = [256, 1], strides = [1, 1]} : vector<256x1000xf32> to vector<256x1xf32>
    %slice3A_4 = vector.extract_strided_slice %get3A_1 {offsets = [0, 0], sizes = [256, 999], strides = [1, 1]} : vector<256x1000xf32> to vector<256x999xf32>
    %concatenate3A = tpu.concatenate %slice3A, %slice3A_4 in 1 : vector<256x1xf32>, vector<256x999xf32> -> vector<256x1000xf32>
    %jit3A = arith.constant 0.000000e+00 : f32
    %broadcast_in_dim3A = vector.broadcast %jit3A : f32 to vector<256x1000xf32>
    %select_n3A = arith.select %ge3A_3, %concatenate3A, %broadcast_in_dim3A : vector<256x1000xi1>, vector<256x1000xf32>
    %add3A = arith.addf %get3A_1, %select_n3A : vector<256x1000xf32>
    %ge3A_5 = arith.constant 2 : i32
    %ge3A_6 = vector.broadcast %ge3A_5 : i32 to vector<256x1000xi32>
    %ge3A_7 = arith.cmpi sge, %iota3A, %ge3A_6 : vector<256x1000xi32>
    %slice3A_8 = vector.extract_strided_slice %add3A {offsets = [0, 998], sizes = [256, 2], strides = [1, 1]} : vector<256x1000xf32> to vector<256x2xf32>
    %slice3A_9 = vector.extract_strided_slice %add3A {offsets = [0, 0], sizes = [256, 998], strides = [1, 1]} : vector<256x1000xf32> to vector<256x998xf32>
    %concatenate3A_10 = tpu.concatenate %slice3A_8, %slice3A_9 in 1 : vector<256x2xf32>, vector<256x998xf32> -> vector<256x1000xf32>
    %jit3A_11 = arith.constant 0.000000e+00 : f32
    %broadcast_in_dim3A_12 = vector.broadcast %jit3A_11 : f32 to vector<256x1000xf32>
    %select_n3A_13 = arith.select %ge3A_7, %concatenate3A_10, %broadcast_in_dim3A_12 : vector<256x1000xi1>, vector<256x1000xf32>
    %add3A_14 = arith.addf %add3A, %select_n3A_13 : vector<256x1000xf32>
    %ge3A_15 = arith.constant 4 : i32
    %ge3A_16 = vector.broadcast %ge3A_15 : i32 to vector<256x1000xi32>
    %ge3A_17 = arith.cmpi sge, %iota3A, %ge3A_16 : vector<256x1000xi32>
    %slice3A_18 = vector.extract_strided_slice %add3A_14 {offsets = [0, 996], sizes = [256, 4], strides = [1, 1]} : vector<256x1000xf32> to vector<256x4xf32>
    %slice3A_19 = vector.extract_strided_slice %add3A_14 {offsets = [0, 0], sizes = [256, 996], strides = [1, 1]} : vector<256x1000xf32> to vector<256x996xf32>
    %concatenate3A_20 = tpu.concatenate %slice3A_18, %slice3A_19 in 1 : vector<256x4xf32>, vector<256x996xf32> -> vector<256x1000xf32>
    %jit3A_21 = arith.constant 0.000000e+00 : f32
    %broadcast_in_dim3A_22 = vector.broadcast %jit3A_21 : f32 to vector<256x1000xf32>
    %select_n3A_23 = arith.select %ge3A_17, %concatenate3A_20, %broadcast_in_dim3A_22 : vector<256x1000xi1>, vector<256x1000xf32>
    %add3A_24 = arith.addf %add3A_14, %select_n3A_23 : vector<256x1000xf32>
    %ge3A_25 = arith.constant 8 : i32
    %ge3A_26 = vector.broadcast %ge3A_25 : i32 to vector<256x1000xi32>
    %ge3A_27 = arith.cmpi sge, %iota3A, %ge3A_26 : vector<256x1000xi32>
    %slice3A_28 = vector.extract_strided_slice %add3A_24 {offsets = [0, 992], sizes = [256, 8], strides = [1, 1]} : vector<256x1000xf32> to vector<256x8xf32>
    %slice3A_29 = vector.extract_strided_slice %add3A_24 {offsets = [0, 0], sizes = [256, 992], strides = [1, 1]} : vector<256x1000xf32> to vector<256x992xf32>
    %concatenate3A_30 = tpu.concatenate %slice3A_28, %slice3A_29 in 1 : vector<256x8xf32>, vector<256x992xf32> -> vector<256x1000xf32>
    %jit3A_31 = arith.constant 0.000000e+00 : f32
    %broadcast_in_dim3A_32 = vector.broadcast %jit3A_31 : f32 to vector<256x1000xf32>
    %select_n3A_33 = arith.select %ge3A_27, %concatenate3A_30, %broadcast_in_dim3A_32 : vector<256x1000xi1>, vector<256x1000xf32>
    %add3A_34 = arith.addf %add3A_24, %select_n3A_33 : vector<256x1000xf32>
    %ge3A_35 = arith.constant 16 : i32
    %ge3A_36 = vector.broadcast %ge3A_35 : i32 to vector<256x1000xi32>
    %ge3A_37 = arith.cmpi sge, %iota3A, %ge3A_36 : vector<256x1000xi32>
    %slice3A_38 = vector.extract_strided_slice %add3A_34 {offsets = [0, 984], sizes = [256, 16], strides = [1, 1]} : vector<256x1000xf32> to vector<256x16xf32>
    %slice3A_39 = vector.extract_strided_slice %add3A_34 {offsets = [0, 0], sizes = [256, 984], strides = [1, 1]} : vector<256x1000xf32> to vector<256x984xf32>
    %concatenate3A_40 = tpu.concatenate %slice3A_38, %slice3A_39 in 1 : vector<256x16xf32>, vector<256x984xf32> -> vector<256x1000xf32>
    %jit3A_41 = arith.constant 0.000000e+00 : f32
    %broadcast_in_dim3A_42 = vector.broadcast %jit3A_41 : f32 to vector<256x1000xf32>
    %select_n3A_43 = arith.select %ge3A_37, %concatenate3A_40, %broadcast_in_dim3A_42 : vector<256x1000xi1>, vector<256x1000xf32>
    %add3A_44 = arith.addf %add3A_34, %select_n3A_43 : vector<256x1000xf32>
    %ge3A_45 = arith.constant 32 : i32
    %ge3A_46 = vector.broadcast %ge3A_45 : i32 to vector<256x1000xi32>
    %ge3A_47 = arith.cmpi sge, %iota3A, %ge3A_46 : vector<256x1000xi32>
    %slice3A_48 = vector.extract_strided_slice %add3A_44 {offsets = [0, 968], sizes = [256, 32], strides = [1, 1]} : vector<256x1000xf32> to vector<256x32xf32>
    %slice3A_49 = vector.extract_strided_slice %add3A_44 {offsets = [0, 0], sizes = [256, 968], strides = [1, 1]} : vector<256x1000xf32> to vector<256x968xf32>
    %concatenate3A_50 = tpu.concatenate %slice3A_48, %slice3A_49 in 1 : vector<256x32xf32>, vector<256x968xf32> -> vector<256x1000xf32>
    %jit3A_51 = arith.constant 0.000000e+00 : f32
    %broadcast_in_dim3A_52 = vector.broadcast %jit3A_51 : f32 to vector<256x1000xf32>
    %select_n3A_53 = arith.select %ge3A_47, %concatenate3A_50, %broadcast_in_dim3A_52 : vector<256x1000xi1>, vector<256x1000xf32>
    %add3A_54 = arith.addf %add3A_44, %select_n3A_53 : vector<256x1000xf32>
    %ge3A_55 = arith.constant 64 : i32
    %ge3A_56 = vector.broadcast %ge3A_55 : i32 to vector<256x1000xi32>
    %ge3A_57 = arith.cmpi sge, %iota3A, %ge3A_56 : vector<256x1000xi32>
    %slice3A_58 = vector.extract_strided_slice %add3A_54 {offsets = [0, 936], sizes = [256, 64], strides = [1, 1]} : vector<256x1000xf32> to vector<256x64xf32>
    %slice3A_59 = vector.extract_strided_slice %add3A_54 {offsets = [0, 0], sizes = [256, 936], strides = [1, 1]} : vector<256x1000xf32> to vector<256x936xf32>
    %concatenate3A_60 = tpu.concatenate %slice3A_58, %slice3A_59 in 1 : vector<256x64xf32>, vector<256x936xf32> -> vector<256x1000xf32>
    %jit3A_61 = arith.constant 0.000000e+00 : f32
    %broadcast_in_dim3A_62 = vector.broadcast %jit3A_61 : f32 to vector<256x1000xf32>
    %select_n3A_63 = arith.select %ge3A_57, %concatenate3A_60, %broadcast_in_dim3A_62 : vector<256x1000xi1>, vector<256x1000xf32>
    %add3A_64 = arith.addf %add3A_54, %select_n3A_63 : vector<256x1000xf32>
    %ge3A_65 = arith.constant 128 : i32
    %ge3A_66 = vector.broadcast %ge3A_65 : i32 to vector<256x1000xi32>
    %ge3A_67 = arith.cmpi sge, %iota3A, %ge3A_66 : vector<256x1000xi32>
    %slice3A_68 = vector.extract_strided_slice %add3A_64 {offsets = [0, 872], sizes = [256, 128], strides = [1, 1]} : vector<256x1000xf32> to vector<256x128xf32>
    %slice3A_69 = vector.extract_strided_slice %add3A_64 {offsets = [0, 0], sizes = [256, 872], strides = [1, 1]} : vector<256x1000xf32> to vector<256x872xf32>
    %concatenate3A_70 = tpu.concatenate %slice3A_68, %slice3A_69 in 1 : vector<256x128xf32>, vector<256x872xf32> -> vector<256x1000xf32>
    %jit3A_71 = arith.constant 0.000000e+00 : f32
    %broadcast_in_dim3A_72 = vector.broadcast %jit3A_71 : f32 to vector<256x1000xf32>
    %select_n3A_73 = arith.select %ge3A_67, %concatenate3A_70, %broadcast_in_dim3A_72 : vector<256x1000xi1>, vector<256x1000xf32>
    %add3A_74 = arith.addf %add3A_64, %select_n3A_73 : vector<256x1000xf32>
    %ge3A_75 = arith.constant 256 : i32
    %ge3A_76 = vector.broadcast %ge3A_75 : i32 to vector<256x1000xi32>
    %ge3A_77 = arith.cmpi sge, %iota3A, %ge3A_76 : vector<256x1000xi32>
    %slice3A_78 = vector.extract_strided_slice %add3A_74 {offsets = [0, 744], sizes = [256, 256], strides = [1, 1]} : vector<256x1000xf32> to vector<256x256xf32>
    %slice3A_79 = vector.extract_strided_slice %add3A_74 {offsets = [0, 0], sizes = [256, 744], strides = [1, 1]} : vector<256x1000xf32> to vector<256x744xf32>
    %concatenate3A_80 = tpu.concatenate %slice3A_78, %slice3A_79 in 1 : vector<256x256xf32>, vector<256x744xf32> -> vector<256x1000xf32>
    %jit3A_81 = arith.constant 0.000000e+00 : f32
    %broadcast_in_dim3A_82 = vector.broadcast %jit3A_81 : f32 to vector<256x1000xf32>
    %select_n3A_83 = arith.select %ge3A_77, %concatenate3A_80, %broadcast_in_dim3A_82 : vector<256x1000xi1>, vector<256x1000xf32>
    %add3A_84 = arith.addf %add3A_74, %select_n3A_83 : vector<256x1000xf32>
    %ge3A_85 = arith.constant 512 : i32
    %ge3A_86 = vector.broadcast %ge3A_85 : i32 to vector<256x1000xi32>
    %ge3A_87 = arith.cmpi sge, %iota3A, %ge3A_86 : vector<256x1000xi32>
    %slice3A_88 = vector.extract_strided_slice %add3A_84 {offsets = [0, 488], sizes = [256, 512], strides = [1, 1]} : vector<256x1000xf32> to vector<256x512xf32>
    %slice3A_89 = vector.extract_strided_slice %add3A_84 {offsets = [0, 0], sizes = [256, 488], strides = [1, 1]} : vector<256x1000xf32> to vector<256x488xf32>
    %concatenate3A_90 = tpu.concatenate %slice3A_88, %slice3A_89 in 1 : vector<256x512xf32>, vector<256x488xf32> -> vector<256x1000xf32>
    %jit3A_91 = arith.constant 0.000000e+00 : f32
    %broadcast_in_dim3A_92 = vector.broadcast %jit3A_91 : f32 to vector<256x1000xf32>
    %select_n3A_93 = arith.select %ge3A_87, %concatenate3A_90, %broadcast_in_dim3A_92 : vector<256x1000xi1>, vector<256x1000xf32>
    %add3A_94 = arith.addf %add3A_84, %select_n3A_93 : vector<256x1000xf32>
    %slice3A_95 = vector.extract_strided_slice %add3A_94 {offsets = [0, 0], sizes = [256, 1], strides = [1, 1]} : vector<256x1000xf32> to vector<256x1xf32>
    %lt3A = arith.constant 2.500000e-01 : f32
    %lt3A_96 = vector.broadcast %lt3A : f32 to vector<256x1000xf32>
    %lt3A_97 = arith.cmpf olt, %add3A_94, %lt3A_96 : vector<256x1000xf32>
    %convert_element_type3A = arith.extui %lt3A_97 : vector<256x1000xi1> to vector<256x1000xi32>
    %convert_element_type3A_98 = arith.sitofp %convert_element_type3A : vector<256x1000xi32> to vector<256x1000xf32>
    %reduce_sum3A = arith.constant dense<0.000000e+00> : vector<256xf32>
    %reduce_sum3A_99 = vector.multi_reduction <add>, %convert_element_type3A_98, %reduce_sum3A [1] : vector<256x1000xf32> to vector<256xf32>
    %broadcast_in_dim3A_100 = vector.shape_cast %reduce_sum3A_99 : vector<256xf32> to vector<256x1xf32>
    %jit3A_101 = arith.constant 0x7F800000 : f32
    %broadcast_in_dim3A_102 = vector.broadcast %jit3A_101 : f32 to vector<256x1000xf32>
    %select_n3A_103 = arith.select %lt3A_97, %broadcast_in_dim3A_102, %add3A_94 : vector<256x1000xi1>, vector<256x1000xf32>
    %reduce_min3A = arith.constant dense<0x7F800000> : vector<256xf32>
    %reduce_min3A_104 = vector.multi_reduction <minimumf>, %select_n3A_103, %reduce_min3A [1] : vector<256x1000xf32> to vector<256xf32>
    %broadcast_in_dim3A_105 = vector.shape_cast %reduce_min3A_104 : vector<256xf32> to vector<256x1xf32>
    %jit3A_106 = arith.constant 0.000000e+00 : f32
    %broadcast_in_dim3A_107 = vector.broadcast %jit3A_106 : f32 to vector<256x1000xf32>
    %select_n3A_108 = arith.select %lt3A_97, %add3A_94, %broadcast_in_dim3A_107 : vector<256x1000xi1>, vector<256x1000xf32>
    %reduce_max3A = arith.constant dense<0xFF800000> : vector<256xf32>
    %reduce_max3A_109 = vector.multi_reduction <maximumf>, %select_n3A_108, %reduce_max3A [1] : vector<256x1000xf32> to vector<256xf32>
    %broadcast_in_dim3A_110 = vector.shape_cast %reduce_max3A_109 : vector<256xf32> to vector<256x1xf32>
    %ge3A_111 = arith.constant 1.000000e+03 : f32
    %ge3A_112 = vector.broadcast %ge3A_111 : f32 to vector<256x1xf32>
    %ge3A_113 = arith.cmpf oge, %broadcast_in_dim3A_100, %ge3A_112 : vector<256x1xf32>
    %jit3A_114 = arith.constant 0.000000e+00 : f32
    %broadcast_in_dim3A_115 = vector.broadcast %jit3A_114 : f32 to vector<256x1xf32>
    %select_n3A_116 = arith.select %ge3A_113, %broadcast_in_dim3A_115, %broadcast_in_dim3A_100 : vector<256x1xi1>, vector<256x1xf32>
    %select_n3A_117 = arith.select %ge3A_113, %slice3A_95, %broadcast_in_dim3A_105 : vector<256x1xi1>, vector<256x1xf32>
    %jit3A_118 = arith.constant 0.000000e+00 : f32
    %broadcast_in_dim3A_119 = vector.broadcast %jit3A_118 : f32 to vector<256x1xf32>
    %select_n3A_120 = arith.select %ge3A_113, %broadcast_in_dim3A_119, %broadcast_in_dim3A_110 : vector<256x1xi1>, vector<256x1xf32>
    %add3A_121 = arith.constant 1.000000e+00 : f32
    %add3A_122 = vector.broadcast %add3A_121 : f32 to vector<256x1xf32>
    %add3A_123 = arith.addf %select_n3A_116, %add3A_122 : vector<256x1xf32>
    %sub3A = arith.constant 2.500000e-01 : f32
    %sub3A_124 = vector.broadcast %sub3A : f32 to vector<256x1xf32>
    %sub3A_125 = arith.subf %sub3A_124, %select_n3A_117 : vector<256x1xf32>
    %sub3A_126 = arith.subf %select_n3A_117, %select_n3A_120 : vector<256x1xf32>
    %div3A = arith.divf %sub3A_125, %sub3A_126 : vector<256x1xf32>
    %add3A_127 = arith.addf %add3A_123, %div3A : vector<256x1xf32>
    %lt3A_128 = arith.constant 5.000000e-01 : f32
    %lt3A_129 = vector.broadcast %lt3A_128 : f32 to vector<256x1000xf32>
    %lt3A_130 = arith.cmpf olt, %add3A_94, %lt3A_129 : vector<256x1000xf32>
    %convert_element_type3A_131 = arith.extui %lt3A_130 : vector<256x1000xi1> to vector<256x1000xi32>
    %convert_element_type3A_132 = arith.sitofp %convert_element_type3A_131 : vector<256x1000xi32> to vector<256x1000xf32>
    %reduce_sum3A_133 = arith.constant dense<0.000000e+00> : vector<256xf32>
    %reduce_sum3A_134 = vector.multi_reduction <add>, %convert_element_type3A_132, %reduce_sum3A_133 [1] : vector<256x1000xf32> to vector<256xf32>
    %broadcast_in_dim3A_135 = vector.shape_cast %reduce_sum3A_134 : vector<256xf32> to vector<256x1xf32>
    %jit3A_136 = arith.constant 0x7F800000 : f32
    %broadcast_in_dim3A_137 = vector.broadcast %jit3A_136 : f32 to vector<256x1000xf32>
    %select_n3A_138 = arith.select %lt3A_130, %broadcast_in_dim3A_137, %add3A_94 : vector<256x1000xi1>, vector<256x1000xf32>
    %reduce_min3A_139 = arith.constant dense<0x7F800000> : vector<256xf32>
    %reduce_min3A_140 = vector.multi_reduction <minimumf>, %select_n3A_138, %reduce_min3A_139 [1] : vector<256x1000xf32> to vector<256xf32>
    %broadcast_in_dim3A_141 = vector.shape_cast %reduce_min3A_140 : vector<256xf32> to vector<256x1xf32>
    %jit3A_142 = arith.constant 0.000000e+00 : f32
    %broadcast_in_dim3A_143 = vector.broadcast %jit3A_142 : f32 to vector<256x1000xf32>
    %select_n3A_144 = arith.select %lt3A_130, %add3A_94, %broadcast_in_dim3A_143 : vector<256x1000xi1>, vector<256x1000xf32>
    %reduce_max3A_145 = arith.constant dense<0xFF800000> : vector<256xf32>
    %reduce_max3A_146 = vector.multi_reduction <maximumf>, %select_n3A_144, %reduce_max3A_145 [1] : vector<256x1000xf32> to vector<256xf32>
    %broadcast_in_dim3A_147 = vector.shape_cast %reduce_max3A_146 : vector<256xf32> to vector<256x1xf32>
    %ge3A_148 = arith.constant 1.000000e+03 : f32
    %ge3A_149 = vector.broadcast %ge3A_148 : f32 to vector<256x1xf32>
    %ge3A_150 = arith.cmpf oge, %broadcast_in_dim3A_135, %ge3A_149 : vector<256x1xf32>
    %jit3A_151 = arith.constant 0.000000e+00 : f32
    %broadcast_in_dim3A_152 = vector.broadcast %jit3A_151 : f32 to vector<256x1xf32>
    %select_n3A_153 = arith.select %ge3A_150, %broadcast_in_dim3A_152, %broadcast_in_dim3A_135 : vector<256x1xi1>, vector<256x1xf32>
    %select_n3A_154 = arith.select %ge3A_150, %slice3A_95, %broadcast_in_dim3A_141 : vector<256x1xi1>, vector<256x1xf32>
    %jit3A_155 = arith.constant 0.000000e+00 : f32
    %broadcast_in_dim3A_156 = vector.broadcast %jit3A_155 : f32 to vector<256x1xf32>
    %select_n3A_157 = arith.select %ge3A_150, %broadcast_in_dim3A_156, %broadcast_in_dim3A_147 : vector<256x1xi1>, vector<256x1xf32>
    %add3A_158 = arith.constant 1.000000e+00 : f32
    %add3A_159 = vector.broadcast %add3A_158 : f32 to vector<256x1xf32>
    %add3A_160 = arith.addf %select_n3A_153, %add3A_159 : vector<256x1xf32>
    %sub3A_161 = arith.constant 5.000000e-01 : f32
    %sub3A_162 = vector.broadcast %sub3A_161 : f32 to vector<256x1xf32>
    %sub3A_163 = arith.subf %sub3A_162, %select_n3A_154 : vector<256x1xf32>
    %sub3A_164 = arith.subf %select_n3A_154, %select_n3A_157 : vector<256x1xf32>
    %div3A_165 = arith.divf %sub3A_163, %sub3A_164 : vector<256x1xf32>
    %add3A_166 = arith.addf %add3A_160, %div3A_165 : vector<256x1xf32>
    %lt3A_167 = arith.constant 7.500000e-01 : f32
    %lt3A_168 = vector.broadcast %lt3A_167 : f32 to vector<256x1000xf32>
    %lt3A_169 = arith.cmpf olt, %add3A_94, %lt3A_168 : vector<256x1000xf32>
    %convert_element_type3A_170 = arith.extui %lt3A_169 : vector<256x1000xi1> to vector<256x1000xi32>
    %convert_element_type3A_171 = arith.sitofp %convert_element_type3A_170 : vector<256x1000xi32> to vector<256x1000xf32>
    %reduce_sum3A_172 = arith.constant dense<0.000000e+00> : vector<256xf32>
    %reduce_sum3A_173 = vector.multi_reduction <add>, %convert_element_type3A_171, %reduce_sum3A_172 [1] : vector<256x1000xf32> to vector<256xf32>
    %broadcast_in_dim3A_174 = vector.shape_cast %reduce_sum3A_173 : vector<256xf32> to vector<256x1xf32>
    %jit3A_175 = arith.constant 0x7F800000 : f32
    %broadcast_in_dim3A_176 = vector.broadcast %jit3A_175 : f32 to vector<256x1000xf32>
    %select_n3A_177 = arith.select %lt3A_169, %broadcast_in_dim3A_176, %add3A_94 : vector<256x1000xi1>, vector<256x1000xf32>
    %reduce_min3A_178 = arith.constant dense<0x7F800000> : vector<256xf32>
    %reduce_min3A_179 = vector.multi_reduction <minimumf>, %select_n3A_177, %reduce_min3A_178 [1] : vector<256x1000xf32> to vector<256xf32>
    %broadcast_in_dim3A_180 = vector.shape_cast %reduce_min3A_179 : vector<256xf32> to vector<256x1xf32>
    %jit3A_181 = arith.constant 0.000000e+00 : f32
    %broadcast_in_dim3A_182 = vector.broadcast %jit3A_181 : f32 to vector<256x1000xf32>
    %select_n3A_183 = arith.select %lt3A_169, %add3A_94, %broadcast_in_dim3A_182 : vector<256x1000xi1>, vector<256x1000xf32>
    %reduce_max3A_184 = arith.constant dense<0xFF800000> : vector<256xf32>
    %reduce_max3A_185 = vector.multi_reduction <maximumf>, %select_n3A_183, %reduce_max3A_184 [1] : vector<256x1000xf32> to vector<256xf32>
    %broadcast_in_dim3A_186 = vector.shape_cast %reduce_max3A_185 : vector<256xf32> to vector<256x1xf32>
    %ge3A_187 = arith.constant 1.000000e+03 : f32
    %ge3A_188 = vector.broadcast %ge3A_187 : f32 to vector<256x1xf32>
    %ge3A_189 = arith.cmpf oge, %broadcast_in_dim3A_174, %ge3A_188 : vector<256x1xf32>
    %jit3A_190 = arith.constant 0.000000e+00 : f32
    %broadcast_in_dim3A_191 = vector.broadcast %jit3A_190 : f32 to vector<256x1xf32>
    %select_n3A_192 = arith.select %ge3A_189, %broadcast_in_dim3A_191, %broadcast_in_dim3A_174 : vector<256x1xi1>, vector<256x1xf32>
    %select_n3A_193 = arith.select %ge3A_189, %slice3A_95, %broadcast_in_dim3A_180 : vector<256x1xi1>, vector<256x1xf32>
    %jit3A_194 = arith.constant 0.000000e+00 : f32
    %broadcast_in_dim3A_195 = vector.broadcast %jit3A_194 : f32 to vector<256x1xf32>
    %select_n3A_196 = arith.select %ge3A_189, %broadcast_in_dim3A_195, %broadcast_in_dim3A_186 : vector<256x1xi1>, vector<256x1xf32>
    %add3A_197 = arith.constant 1.000000e+00 : f32
    %add3A_198 = vector.broadcast %add3A_197 : f32 to vector<256x1xf32>
    %add3A_199 = arith.addf %select_n3A_192, %add3A_198 : vector<256x1xf32>
    %sub3A_200 = arith.constant 7.500000e-01 : f32
    %sub3A_201 = vector.broadcast %sub3A_200 : f32 to vector<256x1xf32>
    %sub3A_202 = arith.subf %sub3A_201, %select_n3A_193 : vector<256x1xf32>
    %sub3A_203 = arith.subf %select_n3A_193, %select_n3A_196 : vector<256x1xf32>
    %div3A_204 = arith.divf %sub3A_202, %sub3A_203 : vector<256x1xf32>
    %add3A_205 = arith.addf %add3A_199, %div3A_204 : vector<256x1xf32>
    %get3A_206 = arith.constant 0 : index
    %get3A_207 = arith.constant 0 : index
    %get3A_208 = vector.load %arg2[%get3A_206, %get3A_207] : memref<256x1000xf32, #tpu.memory_space<vmem>>, vector<256x1000xf32>
    %iota3A_209 = tpu.iota {dimensions = array<i32: 1>} : vector<256x1000xi32>
    %ge3A_210 = arith.constant 1 : i32
    %ge3A_211 = vector.broadcast %ge3A_210 : i32 to vector<256x1000xi32>
    %ge3A_212 = arith.cmpi sge, %iota3A_209, %ge3A_211 : vector<256x1000xi32>
    %slice3A_213 = vector.extract_strided_slice %get3A_208 {offsets = [0, 999], sizes = [256, 1], strides = [1, 1]} : vector<256x1000xf32> to vector<256x1xf32>
    %slice3A_214 = vector.extract_strided_slice %get3A_208 {offsets = [0, 0], sizes = [256, 999], strides = [1, 1]} : vector<256x1000xf32> to vector<256x999xf32>
    %concatenate3A_215 = tpu.concatenate %slice3A_213, %slice3A_214 in 1 : vector<256x1xf32>, vector<256x999xf32> -> vector<256x1000xf32>
    %jit3A_216 = arith.constant 0.000000e+00 : f32
    %broadcast_in_dim3A_217 = vector.broadcast %jit3A_216 : f32 to vector<256x1000xf32>
    %select_n3A_218 = arith.select %ge3A_212, %concatenate3A_215, %broadcast_in_dim3A_217 : vector<256x1000xi1>, vector<256x1000xf32>
    %add3A_219 = arith.addf %get3A_208, %select_n3A_218 : vector<256x1000xf32>
    %ge3A_220 = arith.constant 2 : i32
    %ge3A_221 = vector.broadcast %ge3A_220 : i32 to vector<256x1000xi32>
    %ge3A_222 = arith.cmpi sge, %iota3A_209, %ge3A_221 : vector<256x1000xi32>
    %slice3A_223 = vector.extract_strided_slice %add3A_219 {offsets = [0, 998], sizes = [256, 2], strides = [1, 1]} : vector<256x1000xf32> to vector<256x2xf32>
    %slice3A_224 = vector.extract_strided_slice %add3A_219 {offsets = [0, 0], sizes = [256, 998], strides = [1, 1]} : vector<256x1000xf32> to vector<256x998xf32>
    %concatenate3A_225 = tpu.concatenate %slice3A_223, %slice3A_224 in 1 : vector<256x2xf32>, vector<256x998xf32> -> vector<256x1000xf32>
    %jit3A_226 = arith.constant 0.000000e+00 : f32
    %broadcast_in_dim3A_227 = vector.broadcast %jit3A_226 : f32 to vector<256x1000xf32>
    %select_n3A_228 = arith.select %ge3A_222, %concatenate3A_225, %broadcast_in_dim3A_227 : vector<256x1000xi1>, vector<256x1000xf32>
    %add3A_229 = arith.addf %add3A_219, %select_n3A_228 : vector<256x1000xf32>
    %ge3A_230 = arith.constant 4 : i32
    %ge3A_231 = vector.broadcast %ge3A_230 : i32 to vector<256x1000xi32>
    %ge3A_232 = arith.cmpi sge, %iota3A_209, %ge3A_231 : vector<256x1000xi32>
    %slice3A_233 = vector.extract_strided_slice %add3A_229 {offsets = [0, 996], sizes = [256, 4], strides = [1, 1]} : vector<256x1000xf32> to vector<256x4xf32>
    %slice3A_234 = vector.extract_strided_slice %add3A_229 {offsets = [0, 0], sizes = [256, 996], strides = [1, 1]} : vector<256x1000xf32> to vector<256x996xf32>
    %concatenate3A_235 = tpu.concatenate %slice3A_233, %slice3A_234 in 1 : vector<256x4xf32>, vector<256x996xf32> -> vector<256x1000xf32>
    %jit3A_236 = arith.constant 0.000000e+00 : f32
    %broadcast_in_dim3A_237 = vector.broadcast %jit3A_236 : f32 to vector<256x1000xf32>
    %select_n3A_238 = arith.select %ge3A_232, %concatenate3A_235, %broadcast_in_dim3A_237 : vector<256x1000xi1>, vector<256x1000xf32>
    %add3A_239 = arith.addf %add3A_229, %select_n3A_238 : vector<256x1000xf32>
    %ge3A_240 = arith.constant 8 : i32
    %ge3A_241 = vector.broadcast %ge3A_240 : i32 to vector<256x1000xi32>
    %ge3A_242 = arith.cmpi sge, %iota3A_209, %ge3A_241 : vector<256x1000xi32>
    %slice3A_243 = vector.extract_strided_slice %add3A_239 {offsets = [0, 992], sizes = [256, 8], strides = [1, 1]} : vector<256x1000xf32> to vector<256x8xf32>
    %slice3A_244 = vector.extract_strided_slice %add3A_239 {offsets = [0, 0], sizes = [256, 992], strides = [1, 1]} : vector<256x1000xf32> to vector<256x992xf32>
    %concatenate3A_245 = tpu.concatenate %slice3A_243, %slice3A_244 in 1 : vector<256x8xf32>, vector<256x992xf32> -> vector<256x1000xf32>
    %jit3A_246 = arith.constant 0.000000e+00 : f32
    %broadcast_in_dim3A_247 = vector.broadcast %jit3A_246 : f32 to vector<256x1000xf32>
    %select_n3A_248 = arith.select %ge3A_242, %concatenate3A_245, %broadcast_in_dim3A_247 : vector<256x1000xi1>, vector<256x1000xf32>
    %add3A_249 = arith.addf %add3A_239, %select_n3A_248 : vector<256x1000xf32>
    %ge3A_250 = arith.constant 16 : i32
    %ge3A_251 = vector.broadcast %ge3A_250 : i32 to vector<256x1000xi32>
    %ge3A_252 = arith.cmpi sge, %iota3A_209, %ge3A_251 : vector<256x1000xi32>
    %slice3A_253 = vector.extract_strided_slice %add3A_249 {offsets = [0, 984], sizes = [256, 16], strides = [1, 1]} : vector<256x1000xf32> to vector<256x16xf32>
    %slice3A_254 = vector.extract_strided_slice %add3A_249 {offsets = [0, 0], sizes = [256, 984], strides = [1, 1]} : vector<256x1000xf32> to vector<256x984xf32>
    %concatenate3A_255 = tpu.concatenate %slice3A_253, %slice3A_254 in 1 : vector<256x16xf32>, vector<256x984xf32> -> vector<256x1000xf32>
    %jit3A_256 = arith.constant 0.000000e+00 : f32
    %broadcast_in_dim3A_257 = vector.broadcast %jit3A_256 : f32 to vector<256x1000xf32>
    %select_n3A_258 = arith.select %ge3A_252, %concatenate3A_255, %broadcast_in_dim3A_257 : vector<256x1000xi1>, vector<256x1000xf32>
    %add3A_259 = arith.addf %add3A_249, %select_n3A_258 : vector<256x1000xf32>
    %ge3A_260 = arith.constant 32 : i32
    %ge3A_261 = vector.broadcast %ge3A_260 : i32 to vector<256x1000xi32>
    %ge3A_262 = arith.cmpi sge, %iota3A_209, %ge3A_261 : vector<256x1000xi32>
    %slice3A_263 = vector.extract_strided_slice %add3A_259 {offsets = [0, 968], sizes = [256, 32], strides = [1, 1]} : vector<256x1000xf32> to vector<256x32xf32>
    %slice3A_264 = vector.extract_strided_slice %add3A_259 {offsets = [0, 0], sizes = [256, 968], strides = [1, 1]} : vector<256x1000xf32> to vector<256x968xf32>
    %concatenate3A_265 = tpu.concatenate %slice3A_263, %slice3A_264 in 1 : vector<256x32xf32>, vector<256x968xf32> -> vector<256x1000xf32>
    %jit3A_266 = arith.constant 0.000000e+00 : f32
    %broadcast_in_dim3A_267 = vector.broadcast %jit3A_266 : f32 to vector<256x1000xf32>
    %select_n3A_268 = arith.select %ge3A_262, %concatenate3A_265, %broadcast_in_dim3A_267 : vector<256x1000xi1>, vector<256x1000xf32>
    %add3A_269 = arith.addf %add3A_259, %select_n3A_268 : vector<256x1000xf32>
    %ge3A_270 = arith.constant 64 : i32
    %ge3A_271 = vector.broadcast %ge3A_270 : i32 to vector<256x1000xi32>
    %ge3A_272 = arith.cmpi sge, %iota3A_209, %ge3A_271 : vector<256x1000xi32>
    %slice3A_273 = vector.extract_strided_slice %add3A_269 {offsets = [0, 936], sizes = [256, 64], strides = [1, 1]} : vector<256x1000xf32> to vector<256x64xf32>
    %slice3A_274 = vector.extract_strided_slice %add3A_269 {offsets = [0, 0], sizes = [256, 936], strides = [1, 1]} : vector<256x1000xf32> to vector<256x936xf32>
    %concatenate3A_275 = tpu.concatenate %slice3A_273, %slice3A_274 in 1 : vector<256x64xf32>, vector<256x936xf32> -> vector<256x1000xf32>
    %jit3A_276 = arith.constant 0.000000e+00 : f32
    %broadcast_in_dim3A_277 = vector.broadcast %jit3A_276 : f32 to vector<256x1000xf32>
    %select_n3A_278 = arith.select %ge3A_272, %concatenate3A_275, %broadcast_in_dim3A_277 : vector<256x1000xi1>, vector<256x1000xf32>
    %add3A_279 = arith.addf %add3A_269, %select_n3A_278 : vector<256x1000xf32>
    %ge3A_280 = arith.constant 128 : i32
    %ge3A_281 = vector.broadcast %ge3A_280 : i32 to vector<256x1000xi32>
    %ge3A_282 = arith.cmpi sge, %iota3A_209, %ge3A_281 : vector<256x1000xi32>
    %slice3A_283 = vector.extract_strided_slice %add3A_279 {offsets = [0, 872], sizes = [256, 128], strides = [1, 1]} : vector<256x1000xf32> to vector<256x128xf32>
    %slice3A_284 = vector.extract_strided_slice %add3A_279 {offsets = [0, 0], sizes = [256, 872], strides = [1, 1]} : vector<256x1000xf32> to vector<256x872xf32>
    %concatenate3A_285 = tpu.concatenate %slice3A_283, %slice3A_284 in 1 : vector<256x128xf32>, vector<256x872xf32> -> vector<256x1000xf32>
    %jit3A_286 = arith.constant 0.000000e+00 : f32
    %broadcast_in_dim3A_287 = vector.broadcast %jit3A_286 : f32 to vector<256x1000xf32>
    %select_n3A_288 = arith.select %ge3A_282, %concatenate3A_285, %broadcast_in_dim3A_287 : vector<256x1000xi1>, vector<256x1000xf32>
    %add3A_289 = arith.addf %add3A_279, %select_n3A_288 : vector<256x1000xf32>
    %ge3A_290 = arith.constant 256 : i32
    %ge3A_291 = vector.broadcast %ge3A_290 : i32 to vector<256x1000xi32>
    %ge3A_292 = arith.cmpi sge, %iota3A_209, %ge3A_291 : vector<256x1000xi32>
    %slice3A_293 = vector.extract_strided_slice %add3A_289 {offsets = [0, 744], sizes = [256, 256], strides = [1, 1]} : vector<256x1000xf32> to vector<256x256xf32>
    %slice3A_294 = vector.extract_strided_slice %add3A_289 {offsets = [0, 0], sizes = [256, 744], strides = [1, 1]} : vector<256x1000xf32> to vector<256x744xf32>
    %concatenate3A_295 = tpu.concatenate %slice3A_293, %slice3A_294 in 1 : vector<256x256xf32>, vector<256x744xf32> -> vector<256x1000xf32>
    %jit3A_296 = arith.constant 0.000000e+00 : f32
    %broadcast_in_dim3A_297 = vector.broadcast %jit3A_296 : f32 to vector<256x1000xf32>
    %select_n3A_298 = arith.select %ge3A_292, %concatenate3A_295, %broadcast_in_dim3A_297 : vector<256x1000xi1>, vector<256x1000xf32>
    %add3A_299 = arith.addf %add3A_289, %select_n3A_298 : vector<256x1000xf32>
    %ge3A_300 = arith.constant 512 : i32
    %ge3A_301 = vector.broadcast %ge3A_300 : i32 to vector<256x1000xi32>
    %ge3A_302 = arith.cmpi sge, %iota3A_209, %ge3A_301 : vector<256x1000xi32>
    %slice3A_303 = vector.extract_strided_slice %add3A_299 {offsets = [0, 488], sizes = [256, 512], strides = [1, 1]} : vector<256x1000xf32> to vector<256x512xf32>
    %slice3A_304 = vector.extract_strided_slice %add3A_299 {offsets = [0, 0], sizes = [256, 488], strides = [1, 1]} : vector<256x1000xf32> to vector<256x488xf32>
    %concatenate3A_305 = tpu.concatenate %slice3A_303, %slice3A_304 in 1 : vector<256x512xf32>, vector<256x488xf32> -> vector<256x1000xf32>
    %jit3A_306 = arith.constant 0.000000e+00 : f32
    %broadcast_in_dim3A_307 = vector.broadcast %jit3A_306 : f32 to vector<256x1000xf32>
    %select_n3A_308 = arith.select %ge3A_302, %concatenate3A_305, %broadcast_in_dim3A_307 : vector<256x1000xi1>, vector<256x1000xf32>
    %add3A_309 = arith.addf %add3A_299, %select_n3A_308 : vector<256x1000xf32>
    %slice3A_310 = vector.extract_strided_slice %add3A_309 {offsets = [0, 0], sizes = [256, 1], strides = [1, 1]} : vector<256x1000xf32> to vector<256x1xf32>
    %lt3A_311 = arith.constant 2.500000e-01 : f32
    %lt3A_312 = vector.broadcast %lt3A_311 : f32 to vector<256x1000xf32>
    %lt3A_313 = arith.cmpf olt, %add3A_309, %lt3A_312 : vector<256x1000xf32>
    %convert_element_type3A_314 = arith.extui %lt3A_313 : vector<256x1000xi1> to vector<256x1000xi32>
    %convert_element_type3A_315 = arith.sitofp %convert_element_type3A_314 : vector<256x1000xi32> to vector<256x1000xf32>
    %reduce_sum3A_316 = arith.constant dense<0.000000e+00> : vector<256xf32>
    %reduce_sum3A_317 = vector.multi_reduction <add>, %convert_element_type3A_315, %reduce_sum3A_316 [1] : vector<256x1000xf32> to vector<256xf32>
    %broadcast_in_dim3A_318 = vector.shape_cast %reduce_sum3A_317 : vector<256xf32> to vector<256x1xf32>
    %jit3A_319 = arith.constant 0x7F800000 : f32
    %broadcast_in_dim3A_320 = vector.broadcast %jit3A_319 : f32 to vector<256x1000xf32>
    %select_n3A_321 = arith.select %lt3A_313, %broadcast_in_dim3A_320, %add3A_309 : vector<256x1000xi1>, vector<256x1000xf32>
    %reduce_min3A_322 = arith.constant dense<0x7F800000> : vector<256xf32>
    %reduce_min3A_323 = vector.multi_reduction <minimumf>, %select_n3A_321, %reduce_min3A_322 [1] : vector<256x1000xf32> to vector<256xf32>
    %broadcast_in_dim3A_324 = vector.shape_cast %reduce_min3A_323 : vector<256xf32> to vector<256x1xf32>
    %jit3A_325 = arith.constant 0.000000e+00 : f32
    %broadcast_in_dim3A_326 = vector.broadcast %jit3A_325 : f32 to vector<256x1000xf32>
    %select_n3A_327 = arith.select %lt3A_313, %add3A_309, %broadcast_in_dim3A_326 : vector<256x1000xi1>, vector<256x1000xf32>
    %reduce_max3A_328 = arith.constant dense<0xFF800000> : vector<256xf32>
    %reduce_max3A_329 = vector.multi_reduction <maximumf>, %select_n3A_327, %reduce_max3A_328 [1] : vector<256x1000xf32> to vector<256xf32>
    %broadcast_in_dim3A_330 = vector.shape_cast %reduce_max3A_329 : vector<256xf32> to vector<256x1xf32>
    %ge3A_331 = arith.constant 1.000000e+03 : f32
    %ge3A_332 = vector.broadcast %ge3A_331 : f32 to vector<256x1xf32>
    %ge3A_333 = arith.cmpf oge, %broadcast_in_dim3A_318, %ge3A_332 : vector<256x1xf32>
    %jit3A_334 = arith.constant 0.000000e+00 : f32
    %broadcast_in_dim3A_335 = vector.broadcast %jit3A_334 : f32 to vector<256x1xf32>
    %select_n3A_336 = arith.select %ge3A_333, %broadcast_in_dim3A_335, %broadcast_in_dim3A_318 : vector<256x1xi1>, vector<256x1xf32>
    %select_n3A_337 = arith.select %ge3A_333, %slice3A_310, %broadcast_in_dim3A_324 : vector<256x1xi1>, vector<256x1xf32>
    %jit3A_338 = arith.constant 0.000000e+00 : f32
    %broadcast_in_dim3A_339 = vector.broadcast %jit3A_338 : f32 to vector<256x1xf32>
    %select_n3A_340 = arith.select %ge3A_333, %broadcast_in_dim3A_339, %broadcast_in_dim3A_330 : vector<256x1xi1>, vector<256x1xf32>
    %add3A_341 = arith.constant 1.000000e+00 : f32
    %add3A_342 = vector.broadcast %add3A_341 : f32 to vector<256x1xf32>
    %add3A_343 = arith.addf %select_n3A_336, %add3A_342 : vector<256x1xf32>
    %sub3A_344 = arith.constant 2.500000e-01 : f32
    %sub3A_345 = vector.broadcast %sub3A_344 : f32 to vector<256x1xf32>
    %sub3A_346 = arith.subf %sub3A_345, %select_n3A_337 : vector<256x1xf32>
    %sub3A_347 = arith.subf %select_n3A_337, %select_n3A_340 : vector<256x1xf32>
    %div3A_348 = arith.divf %sub3A_346, %sub3A_347 : vector<256x1xf32>
    %add3A_349 = arith.addf %add3A_343, %div3A_348 : vector<256x1xf32>
    %lt3A_350 = arith.constant 5.000000e-01 : f32
    %lt3A_351 = vector.broadcast %lt3A_350 : f32 to vector<256x1000xf32>
    %lt3A_352 = arith.cmpf olt, %add3A_309, %lt3A_351 : vector<256x1000xf32>
    %convert_element_type3A_353 = arith.extui %lt3A_352 : vector<256x1000xi1> to vector<256x1000xi32>
    %convert_element_type3A_354 = arith.sitofp %convert_element_type3A_353 : vector<256x1000xi32> to vector<256x1000xf32>
    %reduce_sum3A_355 = arith.constant dense<0.000000e+00> : vector<256xf32>
    %reduce_sum3A_356 = vector.multi_reduction <add>, %convert_element_type3A_354, %reduce_sum3A_355 [1] : vector<256x1000xf32> to vector<256xf32>
    %broadcast_in_dim3A_357 = vector.shape_cast %reduce_sum3A_356 : vector<256xf32> to vector<256x1xf32>
    %jit3A_358 = arith.constant 0x7F800000 : f32
    %broadcast_in_dim3A_359 = vector.broadcast %jit3A_358 : f32 to vector<256x1000xf32>
    %select_n3A_360 = arith.select %lt3A_352, %broadcast_in_dim3A_359, %add3A_309 : vector<256x1000xi1>, vector<256x1000xf32>
    %reduce_min3A_361 = arith.constant dense<0x7F800000> : vector<256xf32>
    %reduce_min3A_362 = vector.multi_reduction <minimumf>, %select_n3A_360, %reduce_min3A_361 [1] : vector<256x1000xf32> to vector<256xf32>
    %broadcast_in_dim3A_363 = vector.shape_cast %reduce_min3A_362 : vector<256xf32> to vector<256x1xf32>
    %jit3A_364 = arith.constant 0.000000e+00 : f32
    %broadcast_in_dim3A_365 = vector.broadcast %jit3A_364 : f32 to vector<256x1000xf32>
    %select_n3A_366 = arith.select %lt3A_352, %add3A_309, %broadcast_in_dim3A_365 : vector<256x1000xi1>, vector<256x1000xf32>
    %reduce_max3A_367 = arith.constant dense<0xFF800000> : vector<256xf32>
    %reduce_max3A_368 = vector.multi_reduction <maximumf>, %select_n3A_366, %reduce_max3A_367 [1] : vector<256x1000xf32> to vector<256xf32>
    %broadcast_in_dim3A_369 = vector.shape_cast %reduce_max3A_368 : vector<256xf32> to vector<256x1xf32>
    %ge3A_370 = arith.constant 1.000000e+03 : f32
    %ge3A_371 = vector.broadcast %ge3A_370 : f32 to vector<256x1xf32>
    %ge3A_372 = arith.cmpf oge, %broadcast_in_dim3A_357, %ge3A_371 : vector<256x1xf32>
    %jit3A_373 = arith.constant 0.000000e+00 : f32
    %broadcast_in_dim3A_374 = vector.broadcast %jit3A_373 : f32 to vector<256x1xf32>
    %select_n3A_375 = arith.select %ge3A_372, %broadcast_in_dim3A_374, %broadcast_in_dim3A_357 : vector<256x1xi1>, vector<256x1xf32>
    %select_n3A_376 = arith.select %ge3A_372, %slice3A_310, %broadcast_in_dim3A_363 : vector<256x1xi1>, vector<256x1xf32>
    %jit3A_377 = arith.constant 0.000000e+00 : f32
    %broadcast_in_dim3A_378 = vector.broadcast %jit3A_377 : f32 to vector<256x1xf32>
    %select_n3A_379 = arith.select %ge3A_372, %broadcast_in_dim3A_378, %broadcast_in_dim3A_369 : vector<256x1xi1>, vector<256x1xf32>
    %add3A_380 = arith.constant 1.000000e+00 : f32
    %add3A_381 = vector.broadcast %add3A_380 : f32 to vector<256x1xf32>
    %add3A_382 = arith.addf %select_n3A_375, %add3A_381 : vector<256x1xf32>
    %sub3A_383 = arith.constant 5.000000e-01 : f32
    %sub3A_384 = vector.broadcast %sub3A_383 : f32 to vector<256x1xf32>
    %sub3A_385 = arith.subf %sub3A_384, %select_n3A_376 : vector<256x1xf32>
    %sub3A_386 = arith.subf %select_n3A_376, %select_n3A_379 : vector<256x1xf32>
    %div3A_387 = arith.divf %sub3A_385, %sub3A_386 : vector<256x1xf32>
    %add3A_388 = arith.addf %add3A_382, %div3A_387 : vector<256x1xf32>
    %lt3A_389 = arith.constant 7.500000e-01 : f32
    %lt3A_390 = vector.broadcast %lt3A_389 : f32 to vector<256x1000xf32>
    %lt3A_391 = arith.cmpf olt, %add3A_309, %lt3A_390 : vector<256x1000xf32>
    %convert_element_type3A_392 = arith.extui %lt3A_391 : vector<256x1000xi1> to vector<256x1000xi32>
    %convert_element_type3A_393 = arith.sitofp %convert_element_type3A_392 : vector<256x1000xi32> to vector<256x1000xf32>
    %reduce_sum3A_394 = arith.constant dense<0.000000e+00> : vector<256xf32>
    %reduce_sum3A_395 = vector.multi_reduction <add>, %convert_element_type3A_393, %reduce_sum3A_394 [1] : vector<256x1000xf32> to vector<256xf32>
    %broadcast_in_dim3A_396 = vector.shape_cast %reduce_sum3A_395 : vector<256xf32> to vector<256x1xf32>
    %jit3A_397 = arith.constant 0x7F800000 : f32
    %broadcast_in_dim3A_398 = vector.broadcast %jit3A_397 : f32 to vector<256x1000xf32>
    %select_n3A_399 = arith.select %lt3A_391, %broadcast_in_dim3A_398, %add3A_309 : vector<256x1000xi1>, vector<256x1000xf32>
    %reduce_min3A_400 = arith.constant dense<0x7F800000> : vector<256xf32>
    %reduce_min3A_401 = vector.multi_reduction <minimumf>, %select_n3A_399, %reduce_min3A_400 [1] : vector<256x1000xf32> to vector<256xf32>
    %broadcast_in_dim3A_402 = vector.shape_cast %reduce_min3A_401 : vector<256xf32> to vector<256x1xf32>
    %jit3A_403 = arith.constant 0.000000e+00 : f32
    %broadcast_in_dim3A_404 = vector.broadcast %jit3A_403 : f32 to vector<256x1000xf32>
    %select_n3A_405 = arith.select %lt3A_391, %add3A_309, %broadcast_in_dim3A_404 : vector<256x1000xi1>, vector<256x1000xf32>
    %reduce_max3A_406 = arith.constant dense<0xFF800000> : vector<256xf32>
    %reduce_max3A_407 = vector.multi_reduction <maximumf>, %select_n3A_405, %reduce_max3A_406 [1] : vector<256x1000xf32> to vector<256xf32>
    %broadcast_in_dim3A_408 = vector.shape_cast %reduce_max3A_407 : vector<256xf32> to vector<256x1xf32>
    %ge3A_409 = arith.constant 1.000000e+03 : f32
    %ge3A_410 = vector.broadcast %ge3A_409 : f32 to vector<256x1xf32>
    %ge3A_411 = arith.cmpf oge, %broadcast_in_dim3A_396, %ge3A_410 : vector<256x1xf32>
    %jit3A_412 = arith.constant 0.000000e+00 : f32
    %broadcast_in_dim3A_413 = vector.broadcast %jit3A_412 : f32 to vector<256x1xf32>
    %select_n3A_414 = arith.select %ge3A_411, %broadcast_in_dim3A_413, %broadcast_in_dim3A_396 : vector<256x1xi1>, vector<256x1xf32>
    %select_n3A_415 = arith.select %ge3A_411, %slice3A_310, %broadcast_in_dim3A_402 : vector<256x1xi1>, vector<256x1xf32>
    %jit3A_416 = arith.constant 0.000000e+00 : f32
    %broadcast_in_dim3A_417 = vector.broadcast %jit3A_416 : f32 to vector<256x1xf32>
    %select_n3A_418 = arith.select %ge3A_411, %broadcast_in_dim3A_417, %broadcast_in_dim3A_408 : vector<256x1xi1>, vector<256x1xf32>
    %add3A_419 = arith.constant 1.000000e+00 : f32
    %add3A_420 = vector.broadcast %add3A_419 : f32 to vector<256x1xf32>
    %add3A_421 = arith.addf %select_n3A_414, %add3A_420 : vector<256x1xf32>
    %sub3A_422 = arith.constant 7.500000e-01 : f32
    %sub3A_423 = vector.broadcast %sub3A_422 : f32 to vector<256x1xf32>
    %sub3A_424 = arith.subf %sub3A_423, %select_n3A_415 : vector<256x1xf32>
    %sub3A_425 = arith.subf %select_n3A_415, %select_n3A_418 : vector<256x1xf32>
    %div3A_426 = arith.divf %sub3A_424, %sub3A_425 : vector<256x1xf32>
    %add3A_427 = arith.addf %add3A_421, %div3A_426 : vector<256x1xf32>
    %broadcast_in_dim3A_428 = arith.constant 0.000000e+00 : f32
    %broadcast_in_dim3A_429 = vector.broadcast %broadcast_in_dim3A_428 : f32 to vector<256x1xf32>
    %sub3A_430 = arith.subf %add3A_127, %add3A_349 : vector<256x1xf32>
    %abs3A = math.absf %sub3A_430 : vector<256x1xf32>
    %add3A_431 = arith.addf %broadcast_in_dim3A_429, %abs3A : vector<256x1xf32>
    %sub3A_432 = arith.subf %add3A_166, %add3A_388 : vector<256x1xf32>
    %abs3A_433 = math.absf %sub3A_432 : vector<256x1xf32>
    %add3A_434 = arith.addf %add3A_431, %abs3A_433 : vector<256x1xf32>
    %sub3A_435 = arith.subf %add3A_205, %add3A_427 : vector<256x1xf32>
    %abs3A_436 = math.absf %sub3A_435 : vector<256x1xf32>
    %add3A_437 = arith.addf %add3A_434, %abs3A_436 : vector<256x1xf32>
    %broadcast_in_dim3A_438 = vector.shape_cast %add3A_437 : vector<256x1xf32> to vector<256x1xf32>
    %broadcast_in_dim3A_439 = vector.broadcast %broadcast_in_dim3A_438 : vector<256x1xf32> to vector<256x128xf32>
    %swap3A = arith.constant 0 : index
    %swap3A_440 = arith.constant 0 : index
    %swap3A_441 = vector.load %arg3[%swap3A, %swap3A_440] : memref<256x128xf32, #tpu.memory_space<vmem>>, vector<256x128xf32>
    tpu.vector_store %arg3[%swap3A, %swap3A_440], %broadcast_in_dim3A_439 {strides = array<i32>} : memref<256x128xf32, #tpu.memory_space<vmem>>, vector<256x128xf32>,
    return
  }
  func.func @transform_0(%arg0: i32) -> (i32, i32) {
    %c0_i32 = arith.constant 0 : i32
    %c0_i32_0 = arith.constant 0 : i32
    return %arg0, %c0_i32 : i32, i32
  }
  func.func @transform_1(%arg0: i32) -> (i32, i32) {
    %c0_i32 = arith.constant 0 : i32
    %c0_i32_0 = arith.constant 0 : i32
    return %arg0, %c0_i32 : i32, i32
  }
  func.func @transform_2(%arg0: i32) -> (i32, i32) {
    %c0_i32 = arith.constant 0 : i32
    %c0_i32_0 = arith.constant 0 : i32
    return %arg0, %c0_i32 : i32, i32
  }
}

</mosaic_0001>

<sc_bundles>
// kernel: kernel.3.cloned.1.call-start
scs
__scs_entry_jumppad:
0x0: {  	(pc) =	sbr.rel $0x88, $3  }
0x1: {  	(tag) =	ssettag $0x0;
	lr =	simm.s32 $0x1  }
0x2: {  	[smem:$0x3F9F] =	sst lr;
	_ =	strace $0xD0000000  }
0x3: {  	_ = 	snop  }
0x4: {  	_ = 	snop  }
0x5: {  	_ = 	snop  }
0x6: {  	_ = 	snop  }
0x7: {  	_ = 	snop  }
__scs_overlays_trampoline_lowered:
0x8: {  	[smem:$0x3FAE] =	sst s0  }
0x9: {  	[smem:$0x3FAF] =	sst s1  }
0xa: {  	[smem:$0x3FB0] =	sst s2  }
0xb: {  	[smem:$0x3FB1] =	sst s3  }
0xc: {  	[smem:$0x3FB2] =	sst s4  }
0xd: {  	[smem:$0x3FB3] =	sst s5  }
0xe: {  	[smem:$0x3FB4] =	sst s6  }
0xf: {  	[smem:$0x3FB5] =	sst s7  }
0x10: {  	[smem:$0x3FB6] =	sst s8  }
0x11: {  	[smem:$0x3FB7] =	sst s9;
	s0 =	simm.s32 @!p0 $0x0  }
0x12: {  	s1 =	sld [smem:$0x3F9D];
	s0 =	simm.s32 @p0 $0x1  }
0x13: {  	[smem:$0x3FB8] =	sst s0;
	s0 =	simm.s32 @!p1 $0x0  }
0x14: {  	s2 =	sld [smem:$0x3F9C];
	s0 =	simm.s32 @p1 $0x1  }
0x15: {  	[smem:$0x3FB9] =	sst s0;
	s0 =	simm.s32 @!p2 $0x0  }
0x16: {  	s3 =	sld [smem:$0x3FDB];
	s0 =	simm.s32 @p2 $0x1  }
0x17: {  	s4 =	simm.s32 $0x1BF5;
	[smem:$0x3FBB] =	sst s0  }
0x18: {  	s0 =	sld [smem:$0x3F9E];
	_ =	swait.ge [sflag:s4], $0x0  }
0x19: {  	s7 =	sld [smem:$0x3F9F]  }
0x1a: {  	s8 =	sadd.s32 $0xFFFFE003, lr  }
0x1b: {  	s9 =	sadd.s32 $0xFFFFFEF7, lr;
	s5 =	simm.s32 $0xFFFFFFFF;
	p2 =	slt.u32 s8, $0xFFFFF086  }
0x1c: {  	p1 =	slt.u32 s9, $0xF7A;
	s5 =	simm.s32 @!p2 $0x0  }
0x1d: {  	s5 =	simm.s32 @p1 $0x1;
	p0 =	seq.s32 s7, s2  }
0x1e: {  	s7 =	smul.u32 @!p0 $0xF7A, s2;
	p2 =	seq.s32 @!p0 s5, $0x0  }
0x1f: {  	s9 =	smul.u32 $0xF7A, s1;
	s8 =	simm.s32 @!p0 $0x1BF5;
	p2 =	por !p2, p0  }
0x20: {  	[sflag:s8] =	ssyncset.s32 @!p0 $0xFFFFF086;
	s6 =	sadd.s32 @!p0 s3, s7;
	s7 =	simm.s32 @!p0 $0x108  }
0x21: {  	s3 =	sadd.s32 s3, s9;
	s6 =	sadd.s32 @!p0 $0x88, s6;
	s7 =	simm.s32 @p2 $0x1082  }
0x22: {  	[simem:s7], [sflag:s8] =	dma.local @!p0 [hbm:s6], $0xF7A  }
0x23: {  	s9 =	sor.u32 $0xD0000000, s2;
	s6 =	simm.s32 $0x108;
	_ =	swait.ge @!p0 [sflag:s8], $0x0  }
0x24: {  	s3 =	sadd.s32 $0x88, s3;
	s6 =	simm.s32 @!p1 $0x1082;
	[sflag:s4] =	ssyncset.s32 $0xFFFFF086  }
0x25: {  	[simem:s6], [sflag:s4] =	dma.local [hbm:s3], $0xF7A  }
0x26: {  	[smem:$0x3F9F] =	sst s1;
	(tag) =	ssettag s2;
	_ =	strace s9  }
0x27: {  	s1 =	sld [smem:$0x3FAF]  }
0x28: {  	s2 =	sld [smem:$0x3FB0]  }
0x29: {  	s4 =	sld [smem:$0x3FB2]  }
0x2a: {  	p0 =	seq.s32 s5, $0x0;
	s5 =	sld [smem:$0x3FB3]  }
0x2b: {  	s6 =	sld [smem:$0x3FB4]  }
0x2c: {  	s7 =	sld [smem:$0x3FB5]  }
0x2d: {  	s3 =	simm.s32 $0x108;
	s8 =	sld [smem:$0x3FB6]  }
0x2e: {  	s3 =	simm.s32 @!p0 $0x1082;
	s9 =	sld [smem:$0x3FB7]  }
0x2f: {  	lr =	sadd.s32 s0, s3;
	s0 =	sld [smem:$0x3FAE]  }
0x30: {  	s3 =	sld [smem:$0x3FB1]  }
0x31: {  	[smem:$0x3FBA] =	sst s10  }
0x32: {  	s10 =	sld [smem:$0x3FB8];
	_ =	sdelay $0x3  }
0x33: {  	p0 =	seq.s32 s10, $0x1;
	s10 =	sld [smem:$0x3FBA];
	_ =	sdelay $0x3  }
0x34: {  	[smem:$0x3FBA] =	sst s10  }
0x35: {  	s10 =	sld [smem:$0x3FB9];
	_ =	sdelay $0x3  }
0x36: {  	p1 =	seq.s32 s10, $0x1;
	s10 =	sld [smem:$0x3FBA];
	_ =	sdelay $0x3  }
0x37: {  	[smem:$0x3FBA] =	sst s10  }
0x38: {  	s10 =	sld [smem:$0x3FBB]  }
0x39: {  	_ = 	snop;
	(pc) =	sbr.ind lr, $3  }
0x3a: {  	_ = 	snop  }
0x3b: {  	_ = 	snop  }
0x3c: {  	p2 =	seq.s32 s10, $0x1;
	s10 =	sld [smem:$0x3FBA]  }
0x3d: {  	_ =	shalt  }
0x3e: {  	_ =	shalt  }
0x3f: {  	_ =	shalt  }
0x40: {  	_ =	shalt  }
0x41: {  	_ =	shalt  }
0x42: {  	_ =	shalt  }
0x43: {  	_ =	shalt  }
0x44: {  	_ =	shalt  }
0x45: {  	_ =	shalt  }
0x46: {  	_ =	shalt  }
0x47: {  	_ =	shalt  }
0x48: {  	_ =	shalt  }
0x49: {  	_ =	shalt  }
0x4a: {  	_ =	shalt  }
0x4b: {  	_ =	shalt  }
0x4c: {  	_ =	shalt  }
0x4d: {  	_ =	shalt  }
0x4e: {  	_ =	shalt  }
0x4f: {  	_ =	shalt  }
0x50: {  	_ =	shalt  }
0x51: {  	_ =	shalt  }
0x52: {  	_ =	shalt  }
0x53: {  	_ =	shalt  }
0x54: {  	_ =	shalt  }
0x55: {  	_ =	shalt  }
0x56: {  	_ =	shalt  }
0x57: {  	_ =	shalt  }
0x58: {  	_ =	shalt  }
0x59: {  	_ =	shalt  }
0x5a: {  	_ =	shalt  }
0x5b: {  	_ =	shalt  }
0x5c: {  	_ =	shalt  }
0x5d: {  	_ =	shalt  }
0x5e: {  	_ =	shalt  }
0x5f: {  	_ =	shalt  }
0x60: {  	_ =	shalt  }
0x61: {  	_ =	shalt  }
0x62: {  	_ =	shalt  }
0x63: {  	_ =	shalt  }
0x64: {  	_ =	shalt  }
0x65: {  	_ =	shalt  }
0x66: {  	_ =	shalt  }
0x67: {  	_ =	shalt  }
0x68: {  	_ =	shalt  }
0x69: {  	_ =	shalt  }
0x6a: {  	_ =	shalt  }
0x6b: {  	_ =	shalt  }
0x6c: {  	_ =	shalt  }
0x6d: {  	_ =	shalt  }
0x6e: {  	_ =	shalt  }
0x6f: {  	_ =	shalt  }
0x70: {  	_ =	shalt  }
0x71: {  	_ =	shalt  }
0x72: {  	_ =	shalt  }
0x73: {  	_ =	shalt  }
0x74: {  	_ =	shalt  }
0x75: {  	_ =	shalt  }
0x76: {  	_ =	shalt  }
0x77: {  	_ =	shalt  }
0x78: {  	_ =	shalt  }
0x79: {  	_ =	shalt  }
0x7a: {  	_ =	shalt  }
0x7b: {  	_ =	shalt  }
0x7c: {  	_ =	shalt  }
0x7d: {  	_ =	shalt  }
0x7e: {  	_ =	shalt  }
0x7f: {  	_ =	shalt  }
0x80: {  	_ =	shalt  }
0x81: {  	_ =	shalt  }
0x82: {  	_ =	shalt  }
0x83: {  	_ =	shalt  }
0x84: {  	_ =	shalt  }
0x85: {  	_ =	shalt  }
0x86: {  	_ =	shalt  }
0x87: {  	_ =	shalt  }
.Lfunc_end0:
.L_simem_size_0:
called_computation_lowered:
.L_overlay_start_0:
0x88: {  	s2 =	sld [smem:$0x3FD9]  }
0x89: {  	s3 =	sld [smem:$0x3FFE];
	_ =	sdelay $0x1  }
0x8a: {  	s1 =	srdreg.scid  }
0x8b: {  	s0 =	sand.u32 $0x1, s1  }
0x8c: {  	s16 =	sshll.u32 s0, $0xA;
	s2 =	sadd.s32 s3, s2  }
0x8d: {  	s2 =	sadd.s32 s2, s16  }
0x8e: {  	[smem:$0x3FC6] =	sst s2  }
0x8f: {  	_ = 	snop  }
0x90: {  	(tm) =	ssettm $0x1  }
0x91: {  	s17 =	sld [smem:$0x3FFB];
	_ =	sdelay $0x3  }
0x92: {  	_ =	strace s17  }
0x93: {  	s2 =	sld [smem:$0x3FFC];
	_ =	sdelay $0x3  }
0x94: {  	_ =	strace s2  }
0x95: {  	s2 =	sld [smem:$0x3FFD];
	_ =	sdelay $0x3  }
0x96: {  	_ =	strace s2  }
0x97: {  	_ =	strace $0x8FFFFFFF  }
0x98: {  	s18 =	sld [smem:$0x3FDB];
	_ =	sdelay $0x1  }
0x99: {  	s19 =	simm.s32 $_scs_section_size  }
0x9a: {  	s4 =	simm.s32 $_size__tile_overlayer_lowered;
	s5 =	simm.s32 $_tile_overlayer_lowered  }
0x9b: {  	s22 =	simm.s32 $0x1BFF;
	s21 =	sshll.u32 s5, $0x1;
	s2 =	sadd.s32 s19, s18  }
0x9c: {  	s6 =	simm.s32 $0x0;
	s20 =	sshll.u32 s4, $0x1;
	s4 =	sadd.s32 s21, s2  }
0x9d: {  	[timem:s6], [sflag:s22] =	dma.local [hbm:s4], s20  }
0x9e: {  	_ =	swait.ge [sflag:s22], s20  }
0x9f: {  	s3 =	ssub.s32 $0x0, s20;
	[sflag:s22] =	ssyncset.done $0x0  }
0xa0: {  	[sflag:s22] =	ssyncadd.s32 s3;
	_ =	sdelay $0x1  }
0xa1: {  	s23 =	simm.s32 $0x1B8B  }
0xa2: {  	_ =	swait.ge [sflag:s23], $0x1  }
0xa3: {  	[sflag:s23] =	ssyncset.done $0x0  }
0xa4: {  	s25 =	simm.s32 $0x1B8E;
	s24 =	sld [smem:$0x3FFE];
	[sflag:s23] =	ssyncadd.s32 $0xFFFFFFFF  }
0xa5: {  	s26 =	simm.s32 $execute0_lowered;
	[smem:$0x3FD2] =	sst s25  }
0xa6: {  	s4 =	sshll.u32 s26, $0x1;
	_ =	strace $0x80000046;
	[dreg:$0x1] =	wrdreg $0xFFFFFFFF  }
0xa7: {  	s28 =	simm.s32 $_size_execute0_lowered;
	s2 =	sadd.s32 s2, s4;
	[dreg:$0x0] =	wrdreg $0x0  }
0xa8: {  	s4 =	sshll.u32 s28, $0x1;
	[dreg:$0x2] =	wrdreg s2  }
0xa9: {  	[dreg:$0x3] =	wrdreg s4  }
0xaa: {  	[dreg:$0x4] =	wrdreg $0xC0  }
0xab: {  	_ =	task [dreg:s6], $0x5FFFF  }
0xac: {  	[dreg:$0x1] =	wrdreg $0xFFFFFFFF  }
0xad: {  	[dreg:$0x0] =	wrdreg $0x60  }
0xae: {  	[dreg:$0x2] =	wrdreg s24  }
0xaf: {  	[dreg:$0x3] =	wrdreg $0x9  }
0xb0: {  	_ =	task.clear_ibuf [dreg:s6], $0x4FFFF;
	_ =	strace $0x90000046  }
0xb1: {  	s29 =	simm.s32 $0x9;
	_ =	strace $0x80000048  }
0xb2: {  	_ =	swait.ge [sflag:s29], $0x1  }
0xb3: {  	[sflag:s29] =	ssyncadd.s32 $0xFFFFFFFF  }
0xb4: {  	_ =	strace $0x90000048  }
0xb5: {  	_ =	sfence  }
0xb6: {  	s30 =	sld [smem:$0x0];
	_ =	sdelay $0x2  }
0xb7: {  	s31 =	sshll.u32 s1, $0xD;
	s1 =	sshrl.u32 s1, $0x2  }
0xb8: {  	s3 =	sand.u32 $0x4000, s31;
	s1 =	sadd.s32 s1, s30  }
0xb9: {  	s0 =	sor.u32 s3, s0;
	s1 =	sshll.u32 s1, $0x11  }
0xba: {  	s0 =	sor.u32 s1, s0  }
0xbb: {  	s0 =	sadd.s32 $0x8F2B, s0  }
0xbc: {  	[sflag:s0] =	ssyncadd.remote.s32 $0x1  }
0xbd: {  	_ =	sfence.sel $0xFFFF  }
0xbe: {  	[dreg:$0x0] =	wrdreg $0xFFFFFFFF;
	(pc) =	sbr.abs _section_cstart, $3  }
0xbf: {  	[dreg:$0x1] =	wrdreg $0xFFFFFFFF  }
0xc0: {  	_ =	task.clear_ibuf [dreg:s6], $0x2FFFF;
	_ =	strace $0x9FFFFFFF  }
0xc1: {  	(tm) =	ssettm $0x7FFFFFFF  }
tec
execute0_lowered:
.L_overlay_start_1:
0x0: {  	(tag) =	ssettag $0x1  }
0x1: {  	s3 =	rddreg [dreg:$0x0];
	s1 =	srdreg.scid  }
0x2: {  	s0 =	rddreg [dreg:$0x1];
	s2 =	simm.s32 $0x0;
	s9 =	simm.s32 $0x1  }
0x3: {  	s10 =	simm.s32 $0x4000;
	s11 =	simm.s32 $0x4800;
	s12 =	simm.s32 $0x5000  }
0x4: {  	s13 =	simm.s32 $0x2;
	s14 =	simm.s32 $0x5080;
	s15 =	simm.s32 $0x0  }
0x5: {  	s4 =	sand.u32 $0x1, s1;
	[smem:$0x7FF] =	sst s2;
	s1 =	stileid.u32  }
0x6: {  	s5 =	sshll.u32 s4, $0x4;
	_ =	strace $0x80000047;
	s7 =	sshll.u32 s1, $0x4  }
0x7: {  	s4 =	ssub.s32 $0x2, s4;
	s5 =	sor.u32 s1, s5;
	s7 =	sand.u32 $0x70, s7  }
.Ltmp0:
0x8: {  	s6 =	sshll.u32 s5, $0xA;
	s5 =	sshll.u32 s5, $0x4;
	(pc) =	sbr.rel .LBB2_1-.Ltmp0, $4  }
0x9: {  	s31 =	sshrl.u32 s4, $0x1;
	s5 =	sand.u32 $0x180, s5;
	s6 =	sadd.s32 s6, s3  }
0xa: {  	s5 =	sor.u32 s7, s5;
	s7 =	ssub.s32 s4, s31;
	s4 =	sadd.s32 $0x200, s6  }
0xb: {  	v0 =	vlaneseq.u32;
	s8 =	sadd.s32 s5, s3;
	s3 =	sadd.s32 $0x8200, s6;
	s7 =	smax.u32 s7, $0x1  }
0xc: {  	v2 =	vimm.f32 $0.0e+00;
	v3 =	vimm.s32 $0x0;
	v1 =	vmul.u32 $0x10, v0;
	s5 =	sadd.s32 $0x10400, s8;
	s6 =	sadd.s32 $0x10200, s8;
	s8 =	simm.s32 $0x2000  }
.LBB2_12:
0xd: {  	[tilespmem:$0x5000] =	vst v5  }
0xe: {  	[hbm4b:s5+s2] =	stream.linear.scatter [tilespmem:s12], [sflag:$0x2], $0x80, $0x38;
	[tilespmem:$0x5100] =	vst v63  }
0xf: {  	_ =	swait.ge [sflag:s13], $0x80  }
0x10: {  	s15 =	sadd.s32 $0x1, s15;
	[sflag:s13] =	ssyncset.done $0x0  }
0x11: {  	p0 =	sne.s32 s15, s7;
	[sflag:s13] =	ssyncadd.s32 $0xFFFFFF80  }
.Ltmp1:
0x12: {  	[tilespmem:$0x5080] =	vst v4;
	(pc) =	sbr.rel @!p0 .LBB2_13-.Ltmp1, $4  }
0x13: {  	[hbm4b:s6+s2] =	stream.linear.scatter [tilespmem:s14], [sflag:$0x2], $0x80, $0x38;
	[tilespmem:$0x5100] =	vst v63  }
0x14: {  	_ =	swait.ge [sflag:s13], $0x80  }
0x15: {  	[sflag:s13] =	ssyncset.done $0x0  }
0x16: {  	[sflag:s13] =	ssyncadd.s32 $0xFFFFFF80  }
.LBB2_1:
0x17: {  	[tilespmem:s2], [sflag:$0x1] =	stream.linear.gather [hbm4b:s3+s2], $0x2000, $0x38;
	[tilespmem:$0x5100] =	vst v63  }
0x18: {  	_ = 	snop  }
0x19: {  	[tilespmem:s8], [sflag:$0x1] =	stream.linear.gather [hbm4b:s4+s2], $0x2000, $0x38;
	[tilespmem:$0x5100] =	vst v63  }
0x1a: {  	_ =	swait.ge [sflag:s9], $0x2000  }
.Ltmp2:
0x1b: {  	[sflag:s9] =	ssyncset.done $0x0;
	(pc) =	sbr.rel .LBB2_2-.Ltmp2, $4  }
0x1c: {  	[sflag:s9] =	ssyncadd.s32 $0xFFFFE000  }
0x1d: {  	_ =	swait.ge [sflag:s9], $0x2000  }
0x1e: {  	[sflag:s9] =	ssyncset.done $0x0  }
0x1f: {  	s16 =	simm.s32 $0x0;
	v4 =	vimm.f32 $0.0e+00;
	v5 =	vimm.f32 $0.0e+00;
	s17 =	simm.s32 $0x0;
	[sflag:s9] =	ssyncadd.s32 $0xFFFFE000  }
.LBB2_4:
0x20: {  	v23 =	vmov v6;
	v14 =	vmov v13;
	v15 =	vmov v10  }
0x21: {  	v16 =	vmovc v12;
	v17 =	vmovc v11;
	v18 =	vmov v9;
	v19 =	vmov v8;
	v20 =	vmov v7  }
.LBB2_10:
0x22: {  	s19 =	sadd.s32 s18, s16  }
0x23: {  	v14 =	vadd.f32 @p0 v21, v14;
	s31 =	sshll.u32 s18, $0x7;
	v26 =	vor.u32 s19, v1  }
0x24: {  	v15 =	vadd.f32 @p0 v24, v15;
	v21 =	vadd.s32 @p1 v25, v23;
	v60 =	vor.u32 s31, v0  }
0x25: {  	v21 =	vpsel p1, v21, v6;
	vm0 =	vlt.f32 @p0 v14, $2.500000000e-01;
	vm1 =	vlt.f32 @p0 v14, $5.000000000e-01  }
0x26: {  	[tilespmem:v22+s10+$0x0] =	vst.idx.msk @p0 $0xffff, v14;
	vm2 =	vlt.f32 @p0 v14, $7.500000000e-01;
	vm3 =	vlt.f32 @p0 v15, $2.500000000e-01;
	vm4 =	vlt.f32 @p0 v15, $5.000000000e-01  }
0x27: {  	vm5 =	vlt.f32 @p0 v15, $7.500000000e-01;
	v13 =	vpsel p0, v14, v13;
	v10 =	vpsel p0, v15, v10;
	[tilespmem:v22+s11+$0x0] =	vst.idx.msk @p0 $0xffff, v15  }
0x28: {  	v22 =	vsel @p0 vm0, $0x1, v3;
	v24 =	vsel @p0 vm1, $0x1, v3;
	v25 =	vsel @p0 vm2, $0x1, v3;
	v59 =	vld.idx.msk [tilespmem:v26+s2+$0x0], $0xffff  }
0x29: {  	v27 =	vsel @p0 vm3, $0x1, v3;
	v28 =	vsel @p0 vm4, $0x1, v3;
	v29 =	vsel @p0 vm5, $0x1, v3;
	v26 =	vld.idx.msk [tilespmem:v26+s8+$0x0], $0xffff  }
0x2a: {  	v16 =	vadd.s32 @p0 v22, v16;
	v17 =	vadd.s32 @p0 v24, v17;
	v18 =	vadd.s32 @p0 v25, v18  }
0x2b: {  	v19 =	vadd.s32 @p0 v27, v19;
	v20 =	vadd.s32 @p0 v28, v20;
	v24 =	vpsel p0, v29, v0  }
0x2c: {  	v12 =	vpsel p0, v16, v12;
	v11 =	vpsel p0, v17, v11;
	v9 =	vpsel p0, v18, v9  }
0x2d: {  	v8 =	vpsel p0, v19, v8;
	v14 =	vadd.s32 @p0 v24, v21;
	v13 =	vadd.f32 v59, v13  }
0x2e: {  	v7 =	vpsel p0, v20, v7;
	v6 =	vpsel p0, v14, v6;
	v10 =	vadd.f32 v26, v10  }
0x2f: {  	vm10 =	vlt.f32 v13, $2.500000000e-01;
	vm11 =	vlt.f32 v13, $5.000000000e-01;
	vm12 =	vlt.f32 v13, $7.500000000e-01  }
0x30: {  	vm13 =	vlt.f32 v10, $2.500000000e-01;
	vm14 =	vlt.f32 v10, $5.000000000e-01;
	vm15 =	vlt.f32 v10, $7.500000000e-01  }
0x31: {  	[tilespmem:v60+s10+$0x0] =	vst.idx.msk $0xffff, v13;
	v15 =	vsel vm10, $0x1, v3;
	v13 =	vsel vm11, $0x1, v3;
	v61 =	vsel vm12, $0x1, v3  }
0x32: {  	v62 =	vsel vm13, $0x1, v3;
	[tilespmem:v60+s11+$0x0] =	vst.idx.msk $0xffff, v10;
	v10 =	vsel vm14, $0x1, v3;
	v63 =	vsel vm15, $0x1, v3  }
0x33: {  	v12 =	vadd.s32 v15, v12;
	v11 =	vadd.s32 v13, v11;
	v9 =	vadd.s32 v61, v9  }
0x34: {  	v8 =	vadd.s32 v62, v8;
	v7 =	vadd.s32 v10, v7;
	v6 =	vadd.s32 v63, v6  }
.LBB2_11:
0x35: {  	vm0 =	vlt.s32 v12, $0xF  }
0x36: {  	vm14 =	vlt.s32 v11, $0xF;
	vm2 =	vlt.s32 v8, $0xF;
	vm6 =	vlt.s32 v7, $0xF  }
0x37: {  	vm7 =	vgt.s32 v6, $0xF;
	v10 =	vnsel vm0, $0xF, v12;
	vm0 =	vgt.s32 v9, $0xF  }
0x38: {  	v14 =	vnsel vm14, $0xF, v11;
	v18 =	vnsel vm2, $0xF, v8;
	v20 =	vnsel vm6, $0xF, v7  }
0x39: {  	v22 =	vsel vm7, $0xF, v6;
	v13 =	vadd.s32 $0xFFFFFFFF, v10;
	v10 =	vshll.u32 v10, $0x7  }
0x3a: {  	v15 =	vadd.s32 $0xFFFFFFFF, v14;
	v14 =	vshll.u32 v14, $0x7;
	v16 =	vsel vm0, $0xF, v9  }
0x3b: {  	v19 =	vadd.s32 $0xFFFFFFFF, v18;
	v18 =	vshll.u32 v18, $0x7;
	v21 =	vadd.s32 $0xFFFFFFFF, v20  }
0x3c: {  	v23 =	vadd.s32 $0xFFFFFFFF, v22;
	v20 =	vshll.u32 v20, $0x7;
	vm1 =	vgt.s32 v13, $0x0  }
0x3d: {  	v10 =	vor.u32 v0, v10;
	vm15 =	vgt.s32 v15, $0x0;
	v14 =	vor.u32 v0, v14  }
0x3e: {  	v17 =	vadd.s32 $0xFFFFFFFF, v16;
	v16 =	vshll.u32 v16, $0x7;
	vm5 =	vgt.s32 v19, $0x0  }
0x3f: {  	v18 =	vor.u32 v0, v18;
	vm8 =	vgt.s32 v21, $0x0;
	vm9 =	vgt.s32 v23, $0x0  }
0x40: {  	v20 =	vor.u32 v0, v20;
	v13 =	vnsel vm1, $0x0, v13;
	v15 =	vnsel vm15, $0x0, v15  }
0x41: {  	vm4 =	vgt.s32 v17, $0x0;
	v16 =	vor.u32 v0, v16;
	v13 =	vshll.u32 v13, $0x7  }
0x42: {  	v15 =	vshll.u32 v15, $0x7;
	v17 =	vnsel vm4, $0x0, v17;
	v13 =	vor.u32 v0, v13;
	v10 =	vld.idx.msk [tilespmem:v10+s10+$0x0], $0xffff  }
0x43: {  	v19 =	vnsel vm5, $0x0, v19;
	v15 =	vor.u32 v0, v15;
	v17 =	vshll.u32 v17, $0x7;
	v14 =	vld.idx.msk [tilespmem:v14+s10+$0x0], $0xffff  }
0x44: {  	v21 =	vnsel vm8, $0x0, v21;
	v19 =	vshll.u32 v19, $0x7;
	v17 =	vor.u32 v0, v17;
	v18 =	vld.idx.msk [tilespmem:v18+s11+$0x0], $0xffff  }
0x45: {  	v23 =	vnsel vm9, $0x0, v23;
	v21 =	vshll.u32 v21, $0x7;
	v19 =	vor.u32 v0, v19;
	v20 =	vld.idx.msk [tilespmem:v20+s11+$0x0], $0xffff  }
0x46: {  	v23 =	vshll.u32 v23, $0x7;
	v21 =	vor.u32 v0, v21;
	v16 =	vld.idx.msk [tilespmem:v16+s10+$0x0], $0xffff  }
0x47: {  	v22 =	vshll.u32 v22, $0x7;
	v23 =	vor.u32 v0, v23;
	v13 =	vld.idx.msk [tilespmem:v13+s10+$0x0], $0xffff  }
0x48: {  	v22 =	vor.u32 v0, v22;
	v15 =	vld.idx.msk [tilespmem:v15+s10+$0x0], $0xffff  }
0x49: {  	v17 =	vld.idx.msk [tilespmem:v17+s10+$0x0], $0xffff  }
0x4a: {  	v19 =	vld.idx.msk [tilespmem:v19+s11+$0x0], $0xffff  }
0x4b: {  	vm10 =	veq.s32 v12, $0x0;
	vm11 =	veq.s32 v11, $0x0;
	v21 =	vld.idx.msk [tilespmem:v21+s11+$0x0], $0xffff  }
0x4c: {  	vm12 =	veq.s32 v9, $0x0;
	vm13 =	veq.s32 v8, $0x0;
	v23 =	vld.idx.msk [tilespmem:v23+s11+$0x0], $0xffff;
	v13 =	vsel vm10, $0x0, v13  }
0x4d: {  	vm14 =	veq.s32 v7, $0x0;
	v44 =	vld.idx.msk [tilespmem:v22+s11+$0x0], $0xffff;
	v15 =	vsel vm11, $0x0, v15;
	v13 =	vsub.f32 v10, v13  }
0x4e: {  	vm15 =	veq.s32 v6, $0x0;
	v15 =	vsub.f32 v14, v15;
	v43 =	vsel vm12, $0x0, v17  }
0x4f: {  	v45 =	vsel vm13, $0x0, v19;
	(erf) = vrcp.f32 v13;
	v13 =	vsub.f32 v16, v43  }
0x50: {  	v46 =	vsel vm14, $0x0, v21;
	(erf) = vrcp.f32 v15;
	v15 =	vsub.f32 v18, v45  }
0x51: {  	v47 =	vsel vm15, $0x0, v23;
	(erf) = vrcp.f32 v13;
	v13 =	vsub.f32 v20, v46  }
0x52: {  	(erf) = vrcp.f32 v15;
	v15 =	vsub.f32 v44, v47  }
0x53: {  	(erf) = vrcp.f32 v13  }
0x54: {  	(erf) = vrcp.f32 v15  }
0x55: {  	v48 =	vcvt.s32.f32 v12;
	v50 =	vcvt.s32.f32 v11  }
0x56: {  	v58 =	vcvt.s32.f32 v8;
	v61 =	vcvt.s32.f32 v9  }
0x57: {  	v7 =	vcvt.s32.f32 v7;
	v12 =	vadd.f32 $1.000000000e+00, v48;
	v11 =	vadd.f32 $1.000000000e+00, v50  }
0x58: {  	v8 =	vadd.f32 $1.000000000e+00, v58;
	v9 =	vadd.f32 $1.000000000e+00, v61;
	v6 =	vcvt.s32.f32 v6;
	v49 =	vpop (erf)  }
0x59: {  	v7 =	vadd.f32 $1.000000000e+00, v7;
	v10 =	vsub.f32 $2.500000000e-01, v10;
	v51 =	vpop (erf)  }
0x5a: {  	v6 =	vadd.f32 $1.000000000e+00, v6;
	v14 =	vsub.f32 $5.000000000e-01, v14;
	v54 =	vpop (erf)  }
0x5b: {  	v55 =	vsub.f32 $2.500000000e-01, v18;
	v59 =	vsub.f32 $5.000000000e-01, v20;
	v10 =	vmul.f32 v49, v10;
	v56 =	vpop (erf)  }
0x5c: {  	v62 =	vsub.f32 $7.500000000e-01, v44;
	v53 =	vsub.f32 $7.500000000e-01, v16;
	v52 =	vmul.f32 v51, v14;
	v60 =	vpop (erf)  }
0x5d: {  	v10 =	vadd.f32 v10, v12;
	v12 =	vmul.f32 v56, v55;
	v14 =	vmul.f32 v60, v59;
	v63 =	vpop (erf)  }
0x5e: {  	v57 =	vmul.f32 v54, v53;
	v11 =	vadd.f32 v52, v11;
	v15 =	vmul.f32 v63, v62  }
0x5f: {  	v8 =	vadd.f32 v12, v8;
	v7 =	vadd.f32 v14, v7  }
0x60: {  	v9 =	vadd.f32 v57, v9;
	v6 =	vadd.f32 v15, v6  }
0x61: {  	v8 =	vsub.f32 v8, v10;
	v7 =	vsub.f32 v7, v11;
	_ =	sdelay $0x1  }
0x62: {  	v8 =	vand.u32 $0x7FFFFFFF, v8;
	v6 =	vsub.f32 v6, v9;
	v7 =	vand.u32 $0x7FFFFFFF, v7  }
0x63: {  	s17 =	sadd.s32 $0x1, s17;
	v7 =	vadd.f32 v7, v8  }
0x64: {  	p0 =	sne.s32 s17, $0x20;
	v6 =	vand.u32 $0x7FFFFFFF, v6  }
.Ltmp3:
0x65: {  	v6 =	vadd.f32 v6, v7;
	(pc) =	sbr.rel @!p0 .LBB2_12-.Ltmp3, $4  }
0x66: {  	vm0 =	vmor vm0, vm7  }
0x67: {  	v6 =	vsel vm0, $0x0, v6  }
0x68: {  	v7 =	vsel vm0, $0x3F800000, v2;
	v5 =	vadd.f32 v6, v5  }
0x69: {  	s16 =	sadd.s32 $0x100, s16;
	v4 =	vadd.f32 v7, v4  }
.LBB2_2:
0x6a: {  	s18 =	sshll.u32 s17, $0x8  }
0x6b: {  	v6 =	vor.u32 s18, v1;
	_ =	sdelay $0x4  }
0x6c: {  	v7 =	vld.idx.msk [tilespmem:v6+s2+$0x0], $0xffff  }
0x6d: {  	v6 =	vld.idx.msk [tilespmem:v6+s8+$0x0], $0xffff;
	_ =	sdelay $0x1  }
0x6e: {  	s19 =	sor.u32 $0x1, s18  }
0x6f: {  	v8 =	vor.u32 s19, v1  }
0x70: {  	v9 =	vadd.f32 $0.0e+00, v7  }
0x71: {  	v10 =	vadd.f32 $0.0e+00, v6  }
0x72: {  	[tilespmem:$0x4000] =	vst v9  }
0x73: {  	[tilespmem:$0x4800] =	vst v10  }
0x74: {  	v11 =	vld.idx.msk [tilespmem:v8+s2+$0x0], $0xffff  }
0x75: {  	v8 =	vld.idx.msk [tilespmem:v8+s8+$0x0], $0xffff;
	_ =	sdelay $0x1  }
0x76: {  	s25 =	sor.u32 $0x2, s18  }
0x77: {  	v12 =	vor.u32 s25, v1  }
0x78: {  	v9 =	vadd.f32 v11, v9  }
0x79: {  	v8 =	vadd.f32 v8, v10  }
0x7a: {  	[tilespmem:$0x4080] =	vst v9  }
0x7b: {  	[tilespmem:$0x4880] =	vst v8  }
0x7c: {  	v10 =	vld.idx.msk [tilespmem:v12+s2+$0x0], $0xffff  }
0x7d: {  	v11 =	vld.idx.msk [tilespmem:v12+s8+$0x0], $0xffff;
	_ =	sdelay $0x1  }
0x7e: {  	s26 =	sor.u32 $0x3, s18  }
0x7f: {  	v12 =	vor.u32 s26, v1  }
0x80: {  	v10 =	vadd.f32 v10, v9  }
0x81: {  	v11 =	vadd.f32 v11, v8  }
0x82: {  	[tilespmem:$0x4100] =	vst v10  }
0x83: {  	[tilespmem:$0x4900] =	vst v11  }
0x84: {  	v13 =	vld.idx.msk [tilespmem:v12+s2+$0x0], $0xffff  }
0x85: {  	v12 =	vld.idx.msk [tilespmem:v12+s8+$0x0], $0xffff;
	_ =	sdelay $0x1  }
0x86: {  	s28 =	sor.u32 $0x4, s18  }
0x87: {  	v14 =	vor.u32 s28, v1  }
0x88: {  	v15 =	vadd.f32 v13, v10  }
0x89: {  	v12 =	vadd.f32 v12, v11  }
0x8a: {  	[tilespmem:$0x4180] =	vst v15  }
0x8b: {  	[tilespmem:$0x4980] =	vst v12  }
0x8c: {  	v13 =	vld.idx.msk [tilespmem:v14+s2+$0x0], $0xffff  }
0x8d: {  	v14 =	vld.idx.msk [tilespmem:v14+s8+$0x0], $0xffff;
	_ =	sdelay $0x1  }
0x8e: {  	s29 =	sor.u32 $0x5, s18  }
0x8f: {  	v16 =	vor.u32 s29, v1  }
0x90: {  	v17 =	vadd.f32 v13, v15  }
0x91: {  	v14 =	vadd.f32 v14, v12  }
0x92: {  	[tilespmem:$0x4200] =	vst v17  }
0x93: {  	[tilespmem:$0x4A00] =	vst v14  }
0x94: {  	v13 =	vld.idx.msk [tilespmem:v16+s2+$0x0], $0xffff  }
0x95: {  	v16 =	vld.idx.msk [tilespmem:v16+s8+$0x0], $0xffff;
	_ =	sdelay $0x1  }
0x96: {  	s30 =	sor.u32 $0x6, s18  }
0x97: {  	v18 =	vor.u32 s30, v1  }
0x98: {  	v19 =	vadd.f32 v13, v17  }
0x99: {  	v16 =	vadd.f32 v16, v14  }
0x9a: {  	[tilespmem:$0x4280] =	vst v19  }
0x9b: {  	[tilespmem:$0x4A80] =	vst v16  }
0x9c: {  	vm5 =	vlt.f32 v6, $2.500000000e-01;
	vm6 =	vlt.f32 v6, $5.000000000e-01;
	vm7 =	vlt.f32 v6, $7.500000000e-01;
	v6 =	vld.idx.msk [tilespmem:v18+s2+$0x0], $0xffff  }
0x9d: {  	s18 =	sor.u32 $0x7, s18;
	v18 =	vld.idx.msk [tilespmem:v18+s8+$0x0], $0xffff  }
0x9e: {  	v30 =	vor.u32 s18, v1;
	vm1 =	vlt.f32 v7, $5.000000000e-01;
	vm4 =	vlt.f32 v7, $7.500000000e-01  }
0x9f: {  	vm0 =	vlt.f32 v7, $2.500000000e-01;
	v20 =	vsel vm1, $0x1, v3;
	v7 =	vsel vm4, $0x1, v3  }
0xa0: {  	v21 =	vsel vm5, $0x1, v3;
	v22 =	vsel vm6, $0x1, v3;
	v23 =	vsel vm7, $0x1, v3  }
0xa1: {  	vm8 =	vlt.f32 v9, $2.500000000e-01;
	vm11 =	vlt.f32 v8, $2.500000000e-01;
	v6 =	vadd.f32 v6, v19  }
0xa2: {  	vm12 =	vlt.f32 v8, $5.000000000e-01;
	vm13 =	vlt.f32 v8, $7.500000000e-01;
	v8 =	vadd.f32 v18, v16  }
0xa3: {  	vm9 =	vlt.f32 v9, $5.000000000e-01;
	vm10 =	vlt.f32 v9, $7.500000000e-01;
	v24 =	vsel vm8, $0x1, v3;
	[tilespmem:$0x4300] =	vst v6  }
0xa4: {  	v25 =	vsel vm9, $0x1, v3;
	v29 =	vsel vm10, $0x1, v3;
	v31 =	vsel vm11, $0x1, v3;
	[tilespmem:$0x4B00] =	vst v8  }
0xa5: {  	vm14 =	vlt.f32 v10, $2.500000000e-01;
	vm15 =	vlt.f32 v10, $5.000000000e-01;
	vm4 =	vlt.f32 v10, $7.500000000e-01;
	v10 =	vld.idx.msk [tilespmem:v30+s2+$0x0], $0xffff  }
0xa6: {  	v32 =	vsel vm12, $0x1, v3;
	v34 =	vsel vm13, $0x1, v3;
	v13 =	vsel vm0, $0x1, v3  }
0xa7: {  	v33 =	vadd.s32 v21, v31;
	v9 =	vadd.s32 v13, v24;
	v13 =	vadd.s32 v20, v25;
	v20 =	vld.idx.msk [tilespmem:v30+s8+$0x0], $0xffff  }
0xa8: {  	v21 =	vadd.s32 v23, v34;
	vm5 =	vlt.f32 v11, $2.500000000e-01;
	v36 =	vsel vm15, $0x1, v3  }
0xa9: {  	vm6 =	vlt.f32 v11, $5.000000000e-01;
	v23 =	vadd.s32 v36, v13;
	v13 =	vsel vm5, $0x1, v3  }
0xaa: {  	vm7 =	vlt.f32 v11, $7.500000000e-01;
	v11 =	vadd.s32 v13, v33;
	v13 =	vadd.f32 v10, v6  }
0xab: {  	v7 =	vadd.s32 v7, v29;
	v22 =	vadd.s32 v22, v32  }
0xac: {  	v35 =	vsel vm14, $0x1, v3;
	v10 =	vadd.f32 v20, v8;
	vm11 =	vge.f32 v13, $7.500000000e-01  }
0xad: {  	v37 =	vsel vm4, $0x1, v3;
	v38 =	vsel vm6, $0x1, v3;
	v42 =	vsel vm11, $0x3F800000, v2  }
0xae: {  	v39 =	vsel vm7, $0x1, v3;
	v7 =	vadd.s32 v37, v7;
	vm13 =	vge.f32 v10, $7.500000000e-01;
	(xrf0) =	vmin.scan.msk.f32 $0xffff, v42  }
0xaf: {  	v22 =	vadd.s32 v38, v22;
	vm8 =	vlt.f32 v15, $2.500000000e-01;
	v45 =	vsel vm13, $0x3F800000, v2  }
0xb0: {  	vm9 =	vlt.f32 v15, $5.000000000e-01;
	vm10 =	vlt.f32 v15, $7.500000000e-01;
	vm12 =	vlt.f32 v12, $2.500000000e-01;
	(xrf0) =	vmin.scan.msk.f32 $0xffff, v45  }
0xb1: {  	vm14 =	vlt.f32 v12, $5.000000000e-01;
	vm15 =	vlt.f32 v12, $7.500000000e-01;
	v40 =	vsel vm8, $0x1, v3  }
0xb2: {  	v41 =	vsel vm9, $0x1, v3;
	v43 =	vsel vm12, $0x1, v3;
	v15 =	vsel vm10, $0x1, v3  }
0xb3: {  	v12 =	vsel vm15, $0x1, v3;
	v7 =	vadd.s32 v15, v7;
	v15 =	vsel vm14, $0x1, v3  }
0xb4: {  	vm4 =	vlt.f32 v17, $2.500000000e-01;
	v15 =	vadd.s32 v15, v22;
	vm6 =	vlt.f32 v17, $7.500000000e-01;
	v48, _, _ =	vpop (xrf0)  }
0xb5: {  	vm7 =	vlt.f32 v14, $2.500000000e-01;
	vm8 =	vlt.f32 v14, $5.000000000e-01;
	(v2sf) =	vpush v48, $0xF  }
0xb6: {  	vm9 =	vlt.f32 v14, $7.500000000e-01;
	v46 =	vsel vm4, $0x1, v3;
	v49 =	vsel vm6, $0x1, v3;
	v14, _, _ =	vpop (xrf0)  }
0xb7: {  	v50 =	vsel vm7, $0x1, v3;
	v51 =	vsel vm8, $0x1, v3;
	(v2sf) =	vpush v14, $0xF  }
0xb8: {  	v7 =	vadd.s32 v49, v7;
	v15 =	vadd.s32 v51, v15;
	v9 =	vadd.s32 v35, v9  }
0xb9: {  	vm5 =	vlt.f32 v17, $5.000000000e-01;
	vm10 =	vlt.f32 v19, $2.500000000e-01;
	vm12 =	vlt.f32 v19, $7.500000000e-01  }
0xba: {  	vm14 =	vlt.f32 v16, $5.000000000e-01;
	vm15 =	vlt.f32 v16, $7.500000000e-01;
	v9 =	vadd.s32 v40, v9  }
0xbb: {  	v44 =	vadd.s32 v41, v23;
	v47 =	vsel vm5, $0x1, v3;
	v52 =	vsel vm10, $0x1, v3  }
0xbc: {  	v54 =	vsel vm14, $0x1, v3;
	v56 =	vsel vm15, $0x1, v3;
	v11 =	vadd.s32 v43, v11  }
0xbd: {  	v9 =	vadd.s32 v46, v9;
	v11 =	vadd.s32 v50, v11;
	v18 =	vadd.s32 v39, v21  }
0xbe: {  	v9 =	vadd.s32 v52, v9;
	v12 =	vadd.s32 v12, v18;
	v18 =	vadd.s32 v47, v44  }
0xbf: {  	vm4 =	vlt.f32 v6, $2.500000000e-01;
	vm5 =	vlt.f32 v6, $5.000000000e-01;
	vm6 =	vlt.f32 v6, $7.500000000e-01  }
0xc0: {  	vm7 =	vlt.f32 v8, $2.500000000e-01;
	vm8 =	vlt.f32 v8, $5.000000000e-01;
	v57 =	vsel vm4, $0x1, v3  }
0xc1: {  	v58 =	vsel vm7, $0x1, v3;
	v59 =	vsel vm8, $0x1, v3;
	v6 =	vadd.s32 v54, v15  }
0xc2: {  	v9 =	vadd.s32 v57, v9;
	v15 =	vsel vm6, $0x1, v3;
	v6 =	vadd.s32 v59, v6  }
0xc3: {  	vm10 =	vlt.f32 v13, $2.500000000e-01;
	vm14 =	vlt.f32 v10, $5.000000000e-01;
	vm15 =	vlt.f32 v10, $7.500000000e-01  }
0xc4: {  	vm11 =	vlt.f32 v19, $5.000000000e-01;
	v19 =	vsel vm12, $0x1, v3;
	vm13 =	vlt.f32 v16, $2.500000000e-01;
	s31 =	spop (v2sf)  }
0xc5: {  	vm12 =	vlt.f32 v13, $7.500000000e-01;
	v63 =	vsel vm15, $0x1, v3;
	v53 =	vsel vm11, $0x1, v3;
	p0 =	sgt.f32 s31, $0.0e+00  }
0xc6: {  	v7 =	vadd.s32 v19, v7;
	vm11 =	vlt.f32 v13, $5.000000000e-01;
	v61 =	vsel vm12, $0x1, v3;
	s18 =	spop (v2sf)  }
0xc7: {  	v55 =	vadd.s32 v53, v18;
	v7 =	vadd.s32 v15, v7;
	v14 =	vsel vm9, $0x1, v3;
	p1 =	sgt.f32 @p0 s18, $0.0e+00  }
0xc8: {  	v15 =	vsel vm10, $0x1, v3;
	v12 =	vadd.s32 v14, v12;
	v14 =	vsel vm13, $0x1, v3  }
0xc9: {  	vm9 =	vlt.f32 v8, $7.500000000e-01;
	vm13 =	vlt.f32 v10, $2.500000000e-01;
	v11 =	vadd.s32 v14, v11;
	p1 =	por !p0, !p1  }
.Ltmp4:
0xca: {  	v14 =	vsel vm5, $0x1, v3;
	v12 =	vadd.s32 v56, v12;
	v62 =	vsel vm13, $0x1, v3;
	(pc) =	sbr.rel @!p1 .LBB2_11-.Ltmp4, $4  }
0xcb: {  	v8 =	vadd.s32 v14, v55;
	v14 =	vsel vm9, $0x1, v3;
	v60 =	vadd.s32 v58, v11  }
0xcc: {  	v11 =	vsel vm11, $0x1, v3;
	v14 =	vadd.s32 v14, v12;
	v12 =	vadd.s32 v15, v9  }
0xcd: {  	[tilespmem:$0x4380] =	vst v13;
	v15 =	vsel vm14, $0x1, v3;
	v11 =	vadd.s32 v11, v8;
	v9 =	vadd.s32 v61, v7  }
0xce: {  	[tilespmem:$0x4B80] =	vst v10;
	v8 =	vadd.s32 v62, v60;
	v7 =	vadd.s32 v15, v6;
	v6 =	vadd.s32 v63, v14  }
0xcf: {  	s18 =	simm.s32 $0x8  }
0xd0: {  	s18 =	simm.s32 @p0 $0x8  }
0xd1: {  	p2 =	sne.s32 s18, $0xF  }
.Ltmp5:
0xd2: {  	_ = 	snop;
	(pc) =	sbr.rel @!p2 .LBB2_4-.Ltmp5, $4  }
0xd3: {  	_ = 	snop  }
0xd4: {  	v6 =	vpsel p0, v6, v6;
	v7 =	vpsel p0, v7, v7  }
0xd5: {  	v8 =	vpsel p0, v8, v8;
	v10 =	vpsel p0, v10, v10;
	v9 =	vpsel p0, v9, v9  }
0xd6: {  	v11 =	vpsel p0, v11, v11;
	v12 =	vpsel p0, v12, v12;
	v13 =	vpsel p0, v13, v13;
	p1 =	por $0x0, $0x0;
	p0 =	por $0x0, $0x0;
	s19 =	sadd.s32 $0x1, s18  }
0xd7: {  	s20 =	sadd.s32 s18, s16  }
0xd8: {  	v14 =	vor.u32 s20, v1;
	_ =	sdelay $0x2  }
0xd9: {  	p2 =	sne.s32 s19, $0xF  }
.Ltmp6:
0xda: {  	_ = 	snop;
	(pc) =	sbr.rel @!p2 .LBB2_6-.Ltmp6, $4  }
0xdb: {  	v21 =	vld.idx.msk [tilespmem:v14+s2+$0x0], $0xffff  }
0xdc: {  	v24 =	vld.idx.msk [tilespmem:v14+s8+$0x0], $0xffff  }
0xdd: {  	s31 =	sshll.u32 s18, $0x7  }
0xde: {  	s18 =	sadd.s32 $0x1, s19;
	p0 =	por $0x1, $0x1;
	v22 =	vor.u32 s31, v0  }
0xdf: {  	s20 =	sadd.s32 s19, s16  }
0xe0: {  	v19 =	vor.u32 s20, v1  }
0xe1: {  	v14 =	vadd.f32 v21, v13  }
0xe2: {  	v15 =	vadd.f32 v24, v10  }
0xe3: {  	p2 =	sne.s32 s18, $0xF;
	vm0 =	vlt.f32 v14, $2.500000000e-01;
	vm1 =	vlt.f32 v14, $5.000000000e-01;
	vm2 =	vlt.f32 v14, $7.500000000e-01;
	[tilespmem:v22+s10+$0x0] =	vst.idx.msk $0xffff, v14  }
.Ltmp7:
0xe4: {  	vm3 =	vlt.f32 v15, $2.500000000e-01;
	vm4 =	vlt.f32 v15, $5.000000000e-01;
	vm5 =	vlt.f32 v15, $7.500000000e-01;
	[tilespmem:v22+s11+$0x0] =	vst.idx.msk $0xffff, v15;
	(pc) =	sbr.rel @!p2 .LBB2_8-.Ltmp7, $4  }
0xe5: {  	s31 =	sshll.u32 s19, $0x7;
	v16 =	vsel vm0, $0x1, v3;
	v17 =	vsel vm1, $0x1, v3;
	v23 =	vsel vm4, $0x1, v3;
	v21 =	vld.idx.msk [tilespmem:v19+s2+$0x0], $0xffff  }
0xe6: {  	v18 =	vsel vm2, $0x1, v3;
	v22 =	vor.u32 s31, v0;
	v20 =	vsel vm3, $0x1, v3;
	v24 =	vld.idx.msk [tilespmem:v19+s8+$0x0], $0xffff  }
0xe7: {  	v25 =	vsel vm5, $0x1, v3;
	v16 =	vadd.s32 v16, v12;
	v17 =	vadd.s32 v17, v11  }
0xe8: {  	s19 =	sadd.s32 $0x1, s18;
	p1 =	por $0x1, $0x1;
	v18 =	vadd.s32 v18, v9;
	v19 =	vadd.s32 v20, v8;
	v20 =	vadd.s32 v23, v7;
	v23 =	vmovc v6  }
.LBB2_9:
0xe9: {  	p2 =	sne.s32 s19, $0xF;
	s20 =	sadd.s32 s18, s16;
	v23 =	vadd.s32 v25, v23  }
0xea: {  	v25 =	vor.u32 s20, v1  }
0xeb: {  	v14 =	vadd.f32 v21, v14  }
0xec: {  	v15 =	vadd.f32 v24, v15  }
0xed: {  	vm0 =	vlt.f32 v14, $2.500000000e-01;
	vm1 =	vlt.f32 v14, $5.000000000e-01;
	vm2 =	vlt.f32 v14, $7.500000000e-01;
	[tilespmem:v22+s10+$0x0] =	vst.idx.msk $0xffff, v14  }
.Ltmp8:
0xee: {  	vm3 =	vlt.f32 v15, $2.500000000e-01;
	vm4 =	vlt.f32 v15, $5.000000000e-01;
	vm5 =	vlt.f32 v15, $7.500000000e-01;
	[tilespmem:v22+s11+$0x0] =	vst.idx.msk $0xffff, v15;
	(pc) =	sbr.rel @p2 .LBB2_9-.Ltmp8, $4  }
0xef: {  	v26 =	vsel vm1, $0x1, v3;
	v27 =	vsel vm2, $0x1, v3;
	v22 =	vsel vm0, $0x1, v3;
	v21 =	vld.idx.msk [tilespmem:v25+s2+$0x0], $0xffff  }
0xf0: {  	v28 =	vsel vm3, $0x1, v3;
	v29 =	vsel vm4, $0x1, v3;
	v24 =	vld.idx.msk [tilespmem:v25+s8+$0x0], $0xffff;
	v25 =	vsel vm5, $0x1, v3  }
0xf1: {  	s20 =	sshll.u32 s18, $0x7;
	s18 =	smov.u32 s19;
	v17 =	vadd.s32 v26, v17;
	v18 =	vadd.s32 v27, v18;
	v16 =	vadd.s32 v22, v16  }
0xf2: {  	s19 =	sadd.s32 $0x1, s19;
	v19 =	vadd.s32 v28, v19;
	v20 =	vadd.s32 v29, v20;
	v22 =	vor.u32 s20, v0  }
.Ltmp9:
0xf3: {  	_ = 	snop;
	(pc) =	sbr.rel .LBB2_10-.Ltmp9, $1  }
0xf4: {  	_ =	sdelay $0x3  }
.LBB2_6:
.Ltmp10:
0xf5: {  	(pc) =	sbr.rel .LBB2_10-.Ltmp10, $3  }
0xf6: {  	_ =	sdelay $0x1  }
0xf7: {  	v23 =	vmov v6;
	v14 =	vmov v13;
	v15 =	vmov v10  }
0xf8: {  	s18 =	smov.u32 s19;
	v16 =	vmovc v12;
	v17 =	vmovc v11;
	v18 =	vmov v9;
	v19 =	vmov v8;
	v20 =	vmov v7  }
.LBB2_8:
.Ltmp11:
0xf9: {  	(pc) =	sbr.rel .LBB2_10-.Ltmp11, $2  }
0xfa: {  	_ =	sdelay $0x2  }
0xfb: {  	v23 =	vmov v6  }
.LBB2_13:
0xfc: {  	_ =	sfence.sel $0x180000  }
0xfd: {  	[bflag:$0x0] =	sbarrier.arrive $0xFFFF  }
0xfe: {  	p0 =	sne.s32 s1, $0x0;
	_ =	strace $0x90000047  }
0xff: {  	s0 =	sadd.s32 @!p0 $0x100000, s0;
	[bflag:$0x2] =	sbarrier.arrive $0xFFFF  }
0x100: {  	[sflag:s0] =	ssyncadd.tile.s32 @!p0 $0x1;
	_ =	shalt  }
.Lfunc_end2:
_tile_overlayer_lowered:
.L_overlay_start_2:
0x101: {  	(tag) =	ssettag $0x2  }
0x102: {  	s0 =	rddreg [dreg:$0x0];
	s2 =	stileid.u32  }
0x103: {  	s1 =	rddreg [dreg:$0x1];
	p0 =	sne.s32 s2, $0x0  }
0x104: {  	s3 =	rddreg [dreg:$0x2];
	[bflag:$0x3] =	sbarrier.arrive $0xFFFF;
	s2 =	simm.s32 @!p0 $0x1C02  }
0x105: {  	[timem:s3], [sflag:s2] =	dma.local @!p0 [hbm:s0], s1  }
0x106: {  	s0 =	simm.s32 @!p0 $0x2  }
0x107: {  	_ =	swait.ge @!p0 [sflag:s0], s1  }
0x108: {  	s1 =	ssub.s32 @!p0 $0x0, s1;
	[sflag:s0] =	ssyncset.done @!p0 $0x0  }
0x109: {  	[sflag:s0] =	ssyncadd.s32 @!p0 s1  }
0x10a: {  	[bflag:$0x3] =	sbarrier.arrive $0xFFFF  }
0x10b: {  	_ =	shalt  }

</sc_bundles>
